<compile_context>
chip_gen: v7x
topology: tpu7x:2x2x1
jax: 0.10.2.dev20260603
libtpu: 0.0.44.dev20260713+nightly
codegen_flags: <defaults>
</compile_context>

<pallas_src>
import functools

import jax
import jax.numpy as jnp
from jax import lax
from jax.experimental import pallas as pl
from jax.experimental.pallas import tpu as pltpu
from jax.experimental.pallas import tpu_sc as plsc

CH = 64
Q = 5


def _sc_scatter(prev_pad, srcs, dsts, n_nodes, d, nc, ns, g0, g1):
  grp = Q * CH
  blk = 80
  nblocks = n_nodes // blk
  assert n_nodes % blk == 0 and blk % 16 == 0

  mesh = plsc.VectorSubcoreMesh(core_axis_name="c", subcore_axis_name="s")

  scratch = (
      [pltpu.VMEM((CH,), jnp.int32) for _ in range(Q)]
      + [pltpu.VMEM((CH,), jnp.int32) for _ in range(Q)]
      + [pltpu.VMEM((CH, d), jnp.float32) for _ in range(Q)]
      + [pltpu.VMEM((16, d), jnp.float32)]
      + [pltpu.VMEM_SHARED((n_nodes, d), jnp.float32)]
      + [pltpu.SemaphoreType.DMA for _ in range(4 * Q)]
  )

  @functools.partial(
      pl.kernel,
      out_type=jax.ShapeDtypeStruct((nc * n_nodes, d), jnp.float32),
      mesh=mesh,
      scratch_types=scratch,
  )
  def body(prev_hbm, srcs_hbm, dsts_hbm, out_hbm, *scr):
    sidx = scr[0:Q]
    didx = scr[Q:2 * Q]
    rows = scr[2 * Q:3 * Q]
    zbuf = scr[3 * Q]
    acc = scr[3 * Q + 1]
    isems = scr[3 * Q + 2:3 * Q + 2 + Q]
    jsems = scr[3 * Q + 2 + Q:3 * Q + 2 + 2 * Q]
    gsems = scr[3 * Q + 2 + 2 * Q:3 * Q + 2 + 3 * Q]
    ssems = scr[3 * Q + 2 + 3 * Q:3 * Q + 2 + 4 * Q]

    cid = lax.axis_index("c")
    sid = lax.axis_index("s")
    tile_start = jnp.where(cid == 0, sid * g0, ns * g0 + sid * g1) * grp
    my_groups = jnp.where(cid == 0, g0, g1)
    my_nblk = (nblocks - 1 - sid) // ns + 1

    zvec = jnp.zeros((16,), jnp.float32)
    for r in range(16):
      for c in range(d // 16):
        zbuf[r, pl.ds(c * 16, 16)] = zvec

    def zero_body(j, carry):
      base = (sid + j * ns) * blk
      for k in range(blk // 16):
        pltpu.sync_copy(zbuf, acc.at[pl.ds(base + k * 16, 16)])
      return carry

    lax.fori_loop(0, my_nblk, zero_body, 0)
    plsc.subcore_barrier()

    def drain_scatters():
      for k in range(Q):
        pltpu.make_async_copy(rows[k], acc.at[didx[k]], ssems[k]).wait()

    def group_body(g, carry):
      @pl.when(g > 0)
      def _():
        drain_scatters()

      base = tile_start + g * grp
      idesc = [None] * Q
      jdesc = [None] * Q
      gdesc = [None] * Q
      for k in range(Q):
        off = base + k * CH
        idesc[k] = pltpu.async_copy(
            srcs_hbm.at[pl.ds(off, CH)], sidx[k], isems[k])
        jdesc[k] = pltpu.async_copy(
            dsts_hbm.at[pl.ds(off, CH)], didx[k], jsems[k])
      for k in range(Q):
        idesc[k].wait()
        gdesc[k] = pltpu.async_copy(prev_hbm.at[sidx[k]], rows[k], gsems[k])
      for k in range(Q):
        gdesc[k].wait()
        jdesc[k].wait()
        pltpu.async_copy(rows[k], acc.at[didx[k]], ssems[k], add=True)
      return carry

    lax.fori_loop(0, my_groups, group_body, 0)
    drain_scatters()
    plsc.subcore_barrier()

    def wr_body(j, carry):
      base = (sid + j * ns) * blk
      pltpu.sync_copy(acc.at[pl.ds(base, blk)],
                      out_hbm.at[pl.ds(cid * n_nodes + base, blk)])
      return carry

    lax.fori_loop(0, my_nblk, wr_body, 0)

  return body(prev_pad, srcs, dsts)


def _tc_finish(partials, nodef, edgef, w2, n_nodes, d):
  bn = 1000
  grid = n_nodes // bn

  def body(p0_ref, p1_ref, nf_ref, ef_ref, w2_ref, out_ref):
    nbr = p0_ref[...] + p1_ref[...]
    x2 = lax.dot_general(
        nbr, w2_ref[...],
        dimension_numbers=(((1,), (1,)), ((), ())),
        preferred_element_type=jnp.float32,
    )
    x = nf_ref[...] + ef_ref[...] + x2
    out_ref[...] = jnp.where(x >= 0, x, 0.01 * x)

  row_spec = pl.BlockSpec((bn, d), lambda i: (i, 0))
  p1_spec = pl.BlockSpec((bn, d), lambda i: (grid + i, 0))
  return pl.pallas_call(
      body,
      grid=(grid,),
      in_specs=[row_spec, p1_spec, row_spec, row_spec,
                pl.BlockSpec((d, d), lambda i: (0, 0))],
      out_specs=row_spec,
      out_shape=jax.ShapeDtypeStruct((n_nodes, d), jnp.float32),
  )(partials, partials, nodef, edgef, w2)


def kernel(prev_embeddings, edges_ij, node_features_embeddings, edge_features_embeddings, W2):
  b, n, d = prev_embeddings.shape
  e = edges_ij.shape[0]

  info = plsc.get_sparse_core_info()
  nc, ns = info.num_cores, info.num_subcores
  nw = nc * ns

  grp = Q * CH
  g_tot = -(-2 * e // (ns * grp))
  g0 = (61 * g_tot) // 100
  g1 = g_tot - g0
  pe = ns * g_tot * grp

  u = edges_ij[:, 0]
  v = edges_ij[:, 1]
  pad = pe - 2 * e
  srcs = jnp.concatenate([v, u, jnp.full((pad,), n, jnp.int32)])
  dsts = jnp.concatenate([u, v, jnp.zeros((pad,), jnp.int32)])
  prev_pad = jnp.concatenate(
      [prev_embeddings[0], jnp.zeros((8, d), jnp.float32)], axis=0)

  partials = _sc_scatter(prev_pad, srcs, dsts, n, d, nc, ns, g0, g1)

  out = _tc_finish(partials, node_features_embeddings[0],
                   edge_features_embeddings[0], W2, n, d)
  return out.reshape(b, n, d)

# --- scband reference (transcript-rebuilt; emitter-appended) ---
"""Pipeline reference for scband-embedding-layer-29008209117742 (READ-ONLY COPY).

The authoritative reference and input builder live on the scoring server;
editing this copy changes nothing except your own understanding.
"""

import jax, jax.numpy as jnp
import numpy as np

B, N, D, E = 1, 10000, 128, 320000


def setup_inputs(seed: int = 0) -> dict:
    key = jax.random.key(seed)
    k1, k2, k3, k4, k5 = jax.random.split(key, 5)
    prev_embeddings = jax.random.normal(k1, (B, N, D), dtype=jnp.float32)
    edges_ij = jax.random.randint(k2, (E, 2), 0, N, dtype=jnp.int32)
    node_features_embeddings = jax.random.normal(k3, (B, N, D), dtype=jnp.float32)
    edge_features_embeddings = jax.random.normal(k4, (B, N, D), dtype=jnp.float32)
    # theta2: nn.Linear(embed_dim, embed_dim, bias=False) -> weight shape (D, D)
    bound = 1.0 / np.sqrt(D)
    W2 = jax.random.uniform(k5, (D, D), minval=-bound, maxval=bound, dtype=jnp.float32)
    return {
        "prev_embeddings": prev_embeddings,
        "edges_ij": edges_ij,
        "node_features_embeddings": node_features_embeddings,
        "edge_features_embeddings": edge_features_embeddings,
        "W2": W2,
    }


def reference(prev_embeddings, edges_ij, node_features_embeddings, edge_features_embeddings, W2):
    Bc, Nc, Dc = prev_embeddings.shape
    u = edges_ij[:, 0]
    v = edges_ij[:, 1]
    nbr = jnp.zeros((Bc, Nc, Dc), dtype=prev_embeddings.dtype)
    # torch index_add_ along dim 1 (node dim), gather from the other endpoint
    nbr = nbr.at[:, u, :].add(prev_embeddings[:, v, :])
    nbr = nbr.at[:, v, :].add(prev_embeddings[:, u, :])
    # theta2: linear without bias -> x @ W2.T
    x2 = jnp.einsum("bnd,ed->bne", nbr, W2)
    ret = jax.nn.leaky_relu(node_features_embeddings + x2 + edge_features_embeddings, negative_slope=0.01)
    return ret

if __name__ == "__main__":
    import jax
    _d = setup_inputs()
    print(jax.jit(kernel)(*tuple(_d.values())))

</pallas_src>

<mosaic_0001>
#map = affine_map<(d0, d1) -> (0, 0)>
#map1 = affine_map<(d0, d1) -> (0)>
module attributes {stable_mosaic.version = 14 : i64} {
  func.func @body(%arg0: i32, %arg1: i32, %arg2: memref<10008x128xf32, #tpu.memory_space<hbm>>, %arg3: memref<640000xi32, #tpu.memory_space<hbm>>, %arg4: memref<640000xi32, #tpu.memory_space<hbm>>, %arg5: memref<20000x128xf32, #tpu.memory_space<hbm>>, %arg6: memref<64xi32, #tpu.memory_space<vmem>>, %arg7: memref<64xi32, #tpu.memory_space<vmem>>, %arg8: memref<64xi32, #tpu.memory_space<vmem>>, %arg9: memref<64xi32, #tpu.memory_space<vmem>>, %arg10: memref<64xi32, #tpu.memory_space<vmem>>, %arg11: memref<64xi32, #tpu.memory_space<vmem>>, %arg12: memref<64xi32, #tpu.memory_space<vmem>>, %arg13: memref<64xi32, #tpu.memory_space<vmem>>, %arg14: memref<64xi32, #tpu.memory_space<vmem>>, %arg15: memref<64xi32, #tpu.memory_space<vmem>>, %arg16: memref<64x128xf32, #tpu.memory_space<vmem>>, %arg17: memref<64x128xf32, #tpu.memory_space<vmem>>, %arg18: memref<64x128xf32, #tpu.memory_space<vmem>>, %arg19: memref<64x128xf32, #tpu.memory_space<vmem>>, %arg20: memref<64x128xf32, #tpu.memory_space<vmem>>, %arg21: memref<16x128xf32, #tpu.memory_space<vmem>>, %arg22: memref<10000x128xf32, #tpu.memory_space<vmem_shared>>, %arg23: memref<!tpu.dma_semaphore, #tpu.memory_space<semaphore_mem>>, %arg24: memref<!tpu.dma_semaphore, #tpu.memory_space<semaphore_mem>>, %arg25: memref<!tpu.dma_semaphore, #tpu.memory_space<semaphore_mem>>, %arg26: memref<!tpu.dma_semaphore, #tpu.memory_space<semaphore_mem>>, %arg27: memref<!tpu.dma_semaphore, #tpu.memory_space<semaphore_mem>>, %arg28: memref<!tpu.dma_semaphore, #tpu.memory_space<semaphore_mem>>, %arg29: memref<!tpu.dma_semaphore, #tpu.memory_space<semaphore_mem>>, %arg30: memref<!tpu.dma_semaphore, #tpu.memory_space<semaphore_mem>>, %arg31: memref<!tpu.dma_semaphore, #tpu.memory_space<semaphore_mem>>, %arg32: memref<!tpu.dma_semaphore, #tpu.memory_space<semaphore_mem>>, %arg33: memref<!tpu.dma_semaphore, #tpu.memory_space<semaphore_mem>>, %arg34: memref<!tpu.dma_semaphore, #tpu.memory_space<semaphore_mem>>, %arg35: memref<!tpu.dma_semaphore, #tpu.memory_space<semaphore_mem>>, %arg36: memref<!tpu.dma_semaphore, #tpu.memory_space<semaphore_mem>>, %arg37: memref<!tpu.dma_semaphore, #tpu.memory_space<semaphore_mem>>, %arg38: memref<!tpu.dma_semaphore, #tpu.memory_space<semaphore_mem>>, %arg39: memref<!tpu.dma_semaphore, #tpu.memory_space<semaphore_mem>>, %arg40: memref<!tpu.dma_semaphore, #tpu.memory_space<semaphore_mem>>, %arg41: memref<!tpu.dma_semaphore, #tpu.memory_space<semaphore_mem>>, %arg42: memref<!tpu.dma_semaphore, #tpu.memory_space<semaphore_mem>>) attributes {dimension_semantics = [#tpu.dimension_semantics<core_parallel>, #tpu.dimension_semantics<subcore_parallel>], iteration_bounds = array<i64: 2, 16>, scalar_prefetch = 0 : i64, scratch_operands = 37 : i64, tpu.core_type = #tpu.core_type<sc_vector_subcore>, window_params = [{transform_indices = #map}, {transform_indices = #map1}, {transform_indices = #map1}, {transform_indices = #map}]} {
    %eq3A = arith.constant 0 : i32
    %eq3A_0 = arith.cmpi eq, %arg0, %eq3A : i32
    %mul3A = arith.constant 76 : i32
    %mul3A_1 = arith.muli %arg1, %mul3A : i32
    %mul3A_2 = arith.constant 49 : i32
    %mul3A_3 = arith.muli %arg1, %mul3A_2 : i32
    %add3A = arith.constant 1216 : i32
    %add3A_4 = arith.addi %add3A, %mul3A_3 : i32
    %select_n3A = arith.select %eq3A_0, %mul3A_1, %add3A_4 : i32
    %mul3A_5 = arith.constant 320 : i32
    %mul3A_6 = arith.muli %select_n3A, %mul3A_5 : i32
    %eq3A_7 = arith.constant 0 : i32
    %eq3A_8 = arith.cmpi eq, %arg0, %eq3A_7 : i32
    %jit3A = arith.constant 76 : i32
    %jit3A_9 = arith.constant 49 : i32
    %select_n3A_10 = arith.select %eq3A_8, %jit3A, %jit3A_9 : i32
    %sub3A = arith.constant 124 : i32
    %sub3A_11 = arith.subi %sub3A, %arg1 : i32
    %jit3A_12 = arith.constant 16 : i32
    %div3A = arith.divsi %sub3A_11, %jit3A_12 : i32
    %sign3A = arith.constant 0 : i32
    %sign3A_13 = arith.cmpi sgt, %sub3A_11, %sign3A : i32
    %sign3A_14 = arith.extui %sign3A_13 : i1 to i32
    %sign3A_15 = arith.constant 0 : i32
    %sign3A_16 = arith.cmpi slt, %sub3A_11, %sign3A_15 : i32
    %sign3A_17 = arith.extui %sign3A_16 : i1 to i32
    %sign3A_18 = arith.subi %sign3A_14, %sign3A_17 : i32
    %sign3A_19 = arith.constant 0 : i32
    %sign3A_20 = arith.cmpi sgt, %jit3A_12, %sign3A_19 : i32
    %sign3A_21 = arith.extui %sign3A_20 : i1 to i32
    %sign3A_22 = arith.constant 0 : i32
    %sign3A_23 = arith.cmpi slt, %jit3A_12, %sign3A_22 : i32
    %sign3A_24 = arith.extui %sign3A_23 : i1 to i32
    %sign3A_25 = arith.subi %sign3A_21, %sign3A_24 : i32
    %ne3A = arith.cmpi ne, %sign3A_18, %sign3A_25 : i32
    %rem3A = arith.remsi %sub3A_11, %jit3A_12 : i32
    %ne3A_26 = arith.constant 0 : i32
    %ne3A_27 = arith.cmpi ne, %rem3A, %ne3A_26 : i32
    %and3A = arith.andi %ne3A, %ne3A_27 : i1
    %sub3A_28 = arith.constant 1 : i32
    %sub3A_29 = arith.subi %div3A, %sub3A_28 : i32
    %select_n3A_30 = arith.select %and3A, %sub3A_29, %div3A : i32
    %add3A_31 = arith.constant 1 : i32
    %add3A_32 = arith.addi %select_n3A_30, %add3A_31 : i32
    %broadcast_in_dim3A = arith.constant 0.000000e+00 : f32
    %broadcast_in_dim3A_33 = vector.broadcast %broadcast_in_dim3A : f32 to vector<16xf32>
    %swap3A = arith.constant 0 : i32
    %swap3A_34 = arith.index_cast %swap3A : i32 to index
    %swap3A_35 = arith.constant 0 : index
    %swap3A_36 = tpu.vector_load %arg21[%swap3A_34, %swap3A_35] {strides = array<i32>} : memref<16x128xf32, #tpu.memory_space<vmem>>, vector<1x16xf32>,
    %swap3A_37 = vector.shape_cast %swap3A_36 : vector<1x16xf32> to vector<16xf32>
    %swap3A_38 = vector.shape_cast %broadcast_in_dim3A_33 : vector<16xf32> to vector<1x16xf32>
    tpu.vector_store %arg21[%swap3A_34, %swap3A_35], %swap3A_38 {strides = array<i32>} : memref<16x128xf32, #tpu.memory_space<vmem>>, vector<1x16xf32>,
    %swap3A_39 = arith.constant 0 : i32
    %swap3A_40 = arith.index_cast %swap3A_39 : i32 to index
    %swap3A_41 = arith.constant 16 : index
    %swap3A_42 = tpu.vector_load %arg21[%swap3A_40, %swap3A_41] {strides = array<i32>} : memref<16x128xf32, #tpu.memory_space<vmem>>, vector<1x16xf32>,
    %swap3A_43 = vector.shape_cast %swap3A_42 : vector<1x16xf32> to vector<16xf32>
    %swap3A_44 = vector.shape_cast %broadcast_in_dim3A_33 : vector<16xf32> to vector<1x16xf32>
    tpu.vector_store %arg21[%swap3A_40, %swap3A_41], %swap3A_44 {strides = array<i32>} : memref<16x128xf32, #tpu.memory_space<vmem>>, vector<1x16xf32>,
    %swap3A_45 = arith.constant 0 : i32
    %swap3A_46 = arith.index_cast %swap3A_45 : i32 to index
    %swap3A_47 = arith.constant 32 : index
    %swap3A_48 = tpu.vector_load %arg21[%swap3A_46, %swap3A_47] {strides = array<i32>} : memref<16x128xf32, #tpu.memory_space<vmem>>, vector<1x16xf32>,
    %swap3A_49 = vector.shape_cast %swap3A_48 : vector<1x16xf32> to vector<16xf32>
    %swap3A_50 = vector.shape_cast %broadcast_in_dim3A_33 : vector<16xf32> to vector<1x16xf32>
    tpu.vector_store %arg21[%swap3A_46, %swap3A_47], %swap3A_50 {strides = array<i32>} : memref<16x128xf32, #tpu.memory_space<vmem>>, vector<1x16xf32>,
    %swap3A_51 = arith.constant 0 : i32
    %swap3A_52 = arith.index_cast %swap3A_51 : i32 to index
    %swap3A_53 = arith.constant 48 : index
    %swap3A_54 = tpu.vector_load %arg21[%swap3A_52, %swap3A_53] {strides = array<i32>} : memref<16x128xf32, #tpu.memory_space<vmem>>, vector<1x16xf32>,
    %swap3A_55 = vector.shape_cast %swap3A_54 : vector<1x16xf32> to vector<16xf32>
    %swap3A_56 = vector.shape_cast %broadcast_in_dim3A_33 : vector<16xf32> to vector<1x16xf32>
    tpu.vector_store %arg21[%swap3A_52, %swap3A_53], %swap3A_56 {strides = array<i32>} : memref<16x128xf32, #tpu.memory_space<vmem>>, vector<1x16xf32>,
    %swap3A_57 = arith.constant 0 : i32
    %swap3A_58 = arith.index_cast %swap3A_57 : i32 to index
    %swap3A_59 = arith.constant 64 : index
    %swap3A_60 = tpu.vector_load %arg21[%swap3A_58, %swap3A_59] {strides = array<i32>} : memref<16x128xf32, #tpu.memory_space<vmem>>, vector<1x16xf32>,
    %swap3A_61 = vector.shape_cast %swap3A_60 : vector<1x16xf32> to vector<16xf32>
    %swap3A_62 = vector.shape_cast %broadcast_in_dim3A_33 : vector<16xf32> to vector<1x16xf32>
    tpu.vector_store %arg21[%swap3A_58, %swap3A_59], %swap3A_62 {strides = array<i32>} : memref<16x128xf32, #tpu.memory_space<vmem>>, vector<1x16xf32>,
    %swap3A_63 = arith.constant 0 : i32
    %swap3A_64 = arith.index_cast %swap3A_63 : i32 to index
    %swap3A_65 = arith.constant 80 : index
    %swap3A_66 = tpu.vector_load %arg21[%swap3A_64, %swap3A_65] {strides = array<i32>} : memref<16x128xf32, #tpu.memory_space<vmem>>, vector<1x16xf32>,
    %swap3A_67 = vector.shape_cast %swap3A_66 : vector<1x16xf32> to vector<16xf32>
    %swap3A_68 = vector.shape_cast %broadcast_in_dim3A_33 : vector<16xf32> to vector<1x16xf32>
    tpu.vector_store %arg21[%swap3A_64, %swap3A_65], %swap3A_68 {strides = array<i32>} : memref<16x128xf32, #tpu.memory_space<vmem>>, vector<1x16xf32>,
    %swap3A_69 = arith.constant 0 : i32
    %swap3A_70 = arith.index_cast %swap3A_69 : i32 to index
    %swap3A_71 = arith.constant 96 : index
    %swap3A_72 = tpu.vector_load %arg21[%swap3A_70, %swap3A_71] {strides = array<i32>} : memref<16x128xf32, #tpu.memory_space<vmem>>, vector<1x16xf32>,
    %swap3A_73 = vector.shape_cast %swap3A_72 : vector<1x16xf32> to vector<16xf32>
    %swap3A_74 = vector.shape_cast %broadcast_in_dim3A_33 : vector<16xf32> to vector<1x16xf32>
    tpu.vector_store %arg21[%swap3A_70, %swap3A_71], %swap3A_74 {strides = array<i32>} : memref<16x128xf32, #tpu.memory_space<vmem>>, vector<1x16xf32>,
    %swap3A_75 = arith.constant 0 : i32
    %swap3A_76 = arith.index_cast %swap3A_75 : i32 to index
    %swap3A_77 = arith.constant 112 : index
    %swap3A_78 = tpu.vector_load %arg21[%swap3A_76, %swap3A_77] {strides = array<i32>} : memref<16x128xf32, #tpu.memory_space<vmem>>, vector<1x16xf32>,
    %swap3A_79 = vector.shape_cast %swap3A_78 : vector<1x16xf32> to vector<16xf32>
    %swap3A_80 = vector.shape_cast %broadcast_in_dim3A_33 : vector<16xf32> to vector<1x16xf32>
    tpu.vector_store %arg21[%swap3A_76, %swap3A_77], %swap3A_80 {strides = array<i32>} : memref<16x128xf32, #tpu.memory_space<vmem>>, vector<1x16xf32>,
    %swap3A_81 = arith.constant 1 : i32
    %swap3A_82 = arith.index_cast %swap3A_81 : i32 to index
    %swap3A_83 = arith.constant 0 : index
    %swap3A_84 = tpu.vector_load %arg21[%swap3A_82, %swap3A_83] {strides = array<i32>} : memref<16x128xf32, #tpu.memory_space<vmem>>, vector<1x16xf32>,
    %swap3A_85 = vector.shape_cast %swap3A_84 : vector<1x16xf32> to vector<16xf32>
    %swap3A_86 = vector.shape_cast %broadcast_in_dim3A_33 : vector<16xf32> to vector<1x16xf32>
    tpu.vector_store %arg21[%swap3A_82, %swap3A_83], %swap3A_86 {strides = array<i32>} : memref<16x128xf32, #tpu.memory_space<vmem>>, vector<1x16xf32>,
    %swap3A_87 = arith.constant 1 : i32
    %swap3A_88 = arith.index_cast %swap3A_87 : i32 to index
    %swap3A_89 = arith.constant 16 : index
    %swap3A_90 = tpu.vector_load %arg21[%swap3A_88, %swap3A_89] {strides = array<i32>} : memref<16x128xf32, #tpu.memory_space<vmem>>, vector<1x16xf32>,
    %swap3A_91 = vector.shape_cast %swap3A_90 : vector<1x16xf32> to vector<16xf32>
    %swap3A_92 = vector.shape_cast %broadcast_in_dim3A_33 : vector<16xf32> to vector<1x16xf32>
    tpu.vector_store %arg21[%swap3A_88, %swap3A_89], %swap3A_92 {strides = array<i32>} : memref<16x128xf32, #tpu.memory_space<vmem>>, vector<1x16xf32>,
    %swap3A_93 = arith.constant 1 : i32
    %swap3A_94 = arith.index_cast %swap3A_93 : i32 to index
    %swap3A_95 = arith.constant 32 : index
    %swap3A_96 = tpu.vector_load %arg21[%swap3A_94, %swap3A_95] {strides = array<i32>} : memref<16x128xf32, #tpu.memory_space<vmem>>, vector<1x16xf32>,
    %swap3A_97 = vector.shape_cast %swap3A_96 : vector<1x16xf32> to vector<16xf32>
    %swap3A_98 = vector.shape_cast %broadcast_in_dim3A_33 : vector<16xf32> to vector<1x16xf32>
    tpu.vector_store %arg21[%swap3A_94, %swap3A_95], %swap3A_98 {strides = array<i32>} : memref<16x128xf32, #tpu.memory_space<vmem>>, vector<1x16xf32>,
    %swap3A_99 = arith.constant 1 : i32
    %swap3A_100 = arith.index_cast %swap3A_99 : i32 to index
    %swap3A_101 = arith.constant 48 : index
    %swap3A_102 = tpu.vector_load %arg21[%swap3A_100, %swap3A_101] {strides = array<i32>} : memref<16x128xf32, #tpu.memory_space<vmem>>, vector<1x16xf32>,
    %swap3A_103 = vector.shape_cast %swap3A_102 : vector<1x16xf32> to vector<16xf32>
    %swap3A_104 = vector.shape_cast %broadcast_in_dim3A_33 : vector<16xf32> to vector<1x16xf32>
    tpu.vector_store %arg21[%swap3A_100, %swap3A_101], %swap3A_104 {strides = array<i32>} : memref<16x128xf32, #tpu.memory_space<vmem>>, vector<1x16xf32>,
    %swap3A_105 = arith.constant 1 : i32
    %swap3A_106 = arith.index_cast %swap3A_105 : i32 to index
    %swap3A_107 = arith.constant 64 : index
    %swap3A_108 = tpu.vector_load %arg21[%swap3A_106, %swap3A_107] {strides = array<i32>} : memref<16x128xf32, #tpu.memory_space<vmem>>, vector<1x16xf32>,
    %swap3A_109 = vector.shape_cast %swap3A_108 : vector<1x16xf32> to vector<16xf32>
    %swap3A_110 = vector.shape_cast %broadcast_in_dim3A_33 : vector<16xf32> to vector<1x16xf32>
    tpu.vector_store %arg21[%swap3A_106, %swap3A_107], %swap3A_110 {strides = array<i32>} : memref<16x128xf32, #tpu.memory_space<vmem>>, vector<1x16xf32>,
    %swap3A_111 = arith.constant 1 : i32
    %swap3A_112 = arith.index_cast %swap3A_111 : i32 to index
    %swap3A_113 = arith.constant 80 : index
    %swap3A_114 = tpu.vector_load %arg21[%swap3A_112, %swap3A_113] {strides = array<i32>} : memref<16x128xf32, #tpu.memory_space<vmem>>, vector<1x16xf32>,
    %swap3A_115 = vector.shape_cast %swap3A_114 : vector<1x16xf32> to vector<16xf32>
    %swap3A_116 = vector.shape_cast %broadcast_in_dim3A_33 : vector<16xf32> to vector<1x16xf32>
    tpu.vector_store %arg21[%swap3A_112, %swap3A_113], %swap3A_116 {strides = array<i32>} : memref<16x128xf32, #tpu.memory_space<vmem>>, vector<1x16xf32>,
    %swap3A_117 = arith.constant 1 : i32
    %swap3A_118 = arith.index_cast %swap3A_117 : i32 to index
    %swap3A_119 = arith.constant 96 : index
    %swap3A_120 = tpu.vector_load %arg21[%swap3A_118, %swap3A_119] {strides = array<i32>} : memref<16x128xf32, #tpu.memory_space<vmem>>, vector<1x16xf32>,
    %swap3A_121 = vector.shape_cast %swap3A_120 : vector<1x16xf32> to vector<16xf32>
    %swap3A_122 = vector.shape_cast %broadcast_in_dim3A_33 : vector<16xf32> to vector<1x16xf32>
    tpu.vector_store %arg21[%swap3A_118, %swap3A_119], %swap3A_122 {strides = array<i32>} : memref<16x128xf32, #tpu.memory_space<vmem>>, vector<1x16xf32>,
    %swap3A_123 = arith.constant 1 : i32
    %swap3A_124 = arith.index_cast %swap3A_123 : i32 to index
    %swap3A_125 = arith.constant 112 : index
    %swap3A_126 = tpu.vector_load %arg21[%swap3A_124, %swap3A_125] {strides = array<i32>} : memref<16x128xf32, #tpu.memory_space<vmem>>, vector<1x16xf32>,
    %swap3A_127 = vector.shape_cast %swap3A_126 : vector<1x16xf32> to vector<16xf32>
    %swap3A_128 = vector.shape_cast %broadcast_in_dim3A_33 : vector<16xf32> to vector<1x16xf32>
    tpu.vector_store %arg21[%swap3A_124, %swap3A_125], %swap3A_128 {strides = array<i32>} : memref<16x128xf32, #tpu.memory_space<vmem>>, vector<1x16xf32>,
    %swap3A_129 = arith.constant 2 : i32
    %swap3A_130 = arith.index_cast %swap3A_129 : i32 to index
    %swap3A_131 = arith.constant 0 : index
    %swap3A_132 = tpu.vector_load %arg21[%swap3A_130, %swap3A_131] {strides = array<i32>} : memref<16x128xf32, #tpu.memory_space<vmem>>, vector<1x16xf32>,
    %swap3A_133 = vector.shape_cast %swap3A_132 : vector<1x16xf32> to vector<16xf32>
    %swap3A_134 = vector.shape_cast %broadcast_in_dim3A_33 : vector<16xf32> to vector<1x16xf32>
    tpu.vector_store %arg21[%swap3A_130, %swap3A_131], %swap3A_134 {strides = array<i32>} : memref<16x128xf32, #tpu.memory_space<vmem>>, vector<1x16xf32>,
    %swap3A_135 = arith.constant 2 : i32
    %swap3A_136 = arith.index_cast %swap3A_135 : i32 to index
    %swap3A_137 = arith.constant 16 : index
    %swap3A_138 = tpu.vector_load %arg21[%swap3A_136, %swap3A_137] {strides = array<i32>} : memref<16x128xf32, #tpu.memory_space<vmem>>, vector<1x16xf32>,
    %swap3A_139 = vector.shape_cast %swap3A_138 : vector<1x16xf32> to vector<16xf32>
    %swap3A_140 = vector.shape_cast %broadcast_in_dim3A_33 : vector<16xf32> to vector<1x16xf32>
    tpu.vector_store %arg21[%swap3A_136, %swap3A_137], %swap3A_140 {strides = array<i32>} : memref<16x128xf32, #tpu.memory_space<vmem>>, vector<1x16xf32>,
    %swap3A_141 = arith.constant 2 : i32
    %swap3A_142 = arith.index_cast %swap3A_141 : i32 to index
    %swap3A_143 = arith.constant 32 : index
    %swap3A_144 = tpu.vector_load %arg21[%swap3A_142, %swap3A_143] {strides = array<i32>} : memref<16x128xf32, #tpu.memory_space<vmem>>, vector<1x16xf32>,
    %swap3A_145 = vector.shape_cast %swap3A_144 : vector<1x16xf32> to vector<16xf32>
    %swap3A_146 = vector.shape_cast %broadcast_in_dim3A_33 : vector<16xf32> to vector<1x16xf32>
    tpu.vector_store %arg21[%swap3A_142, %swap3A_143], %swap3A_146 {strides = array<i32>} : memref<16x128xf32, #tpu.memory_space<vmem>>, vector<1x16xf32>,
    %swap3A_147 = arith.constant 2 : i32
    %swap3A_148 = arith.index_cast %swap3A_147 : i32 to index
    %swap3A_149 = arith.constant 48 : index
    %swap3A_150 = tpu.vector_load %arg21[%swap3A_148, %swap3A_149] {strides = array<i32>} : memref<16x128xf32, #tpu.memory_space<vmem>>, vector<1x16xf32>,
    %swap3A_151 = vector.shape_cast %swap3A_150 : vector<1x16xf32> to vector<16xf32>
    %swap3A_152 = vector.shape_cast %broadcast_in_dim3A_33 : vector<16xf32> to vector<1x16xf32>
    tpu.vector_store %arg21[%swap3A_148, %swap3A_149], %swap3A_152 {strides = array<i32>} : memref<16x128xf32, #tpu.memory_space<vmem>>, vector<1x16xf32>,
    %swap3A_153 = arith.constant 2 : i32
    %swap3A_154 = arith.index_cast %swap3A_153 : i32 to index
    %swap3A_155 = arith.constant 64 : index
    %swap3A_156 = tpu.vector_load %arg21[%swap3A_154, %swap3A_155] {strides = array<i32>} : memref<16x128xf32, #tpu.memory_space<vmem>>, vector<1x16xf32>,
    %swap3A_157 = vector.shape_cast %swap3A_156 : vector<1x16xf32> to vector<16xf32>
    %swap3A_158 = vector.shape_cast %broadcast_in_dim3A_33 : vector<16xf32> to vector<1x16xf32>
    tpu.vector_store %arg21[%swap3A_154, %swap3A_155], %swap3A_158 {strides = array<i32>} : memref<16x128xf32, #tpu.memory_space<vmem>>, vector<1x16xf32>,
    %swap3A_159 = arith.constant 2 : i32
    %swap3A_160 = arith.index_cast %swap3A_159 : i32 to index
    %swap3A_161 = arith.constant 80 : index
    %swap3A_162 = tpu.vector_load %arg21[%swap3A_160, %swap3A_161] {strides = array<i32>} : memref<16x128xf32, #tpu.memory_space<vmem>>, vector<1x16xf32>,
    %swap3A_163 = vector.shape_cast %swap3A_162 : vector<1x16xf32> to vector<16xf32>
    %swap3A_164 = vector.shape_cast %broadcast_in_dim3A_33 : vector<16xf32> to vector<1x16xf32>
    tpu.vector_store %arg21[%swap3A_160, %swap3A_161], %swap3A_164 {strides = array<i32>} : memref<16x128xf32, #tpu.memory_space<vmem>>, vector<1x16xf32>,
    %swap3A_165 = arith.constant 2 : i32
    %swap3A_166 = arith.index_cast %swap3A_165 : i32 to index
    %swap3A_167 = arith.constant 96 : index
    %swap3A_168 = tpu.vector_load %arg21[%swap3A_166, %swap3A_167] {strides = array<i32>} : memref<16x128xf32, #tpu.memory_space<vmem>>, vector<1x16xf32>,
    %swap3A_169 = vector.shape_cast %swap3A_168 : vector<1x16xf32> to vector<16xf32>
    %swap3A_170 = vector.shape_cast %broadcast_in_dim3A_33 : vector<16xf32> to vector<1x16xf32>
    tpu.vector_store %arg21[%swap3A_166, %swap3A_167], %swap3A_170 {strides = array<i32>} : memref<16x128xf32, #tpu.memory_space<vmem>>, vector<1x16xf32>,
    %swap3A_171 = arith.constant 2 : i32
    %swap3A_172 = arith.index_cast %swap3A_171 : i32 to index
    %swap3A_173 = arith.constant 112 : index
    %swap3A_174 = tpu.vector_load %arg21[%swap3A_172, %swap3A_173] {strides = array<i32>} : memref<16x128xf32, #tpu.memory_space<vmem>>, vector<1x16xf32>,
    %swap3A_175 = vector.shape_cast %swap3A_174 : vector<1x16xf32> to vector<16xf32>
    %swap3A_176 = vector.shape_cast %broadcast_in_dim3A_33 : vector<16xf32> to vector<1x16xf32>
    tpu.vector_store %arg21[%swap3A_172, %swap3A_173], %swap3A_176 {strides = array<i32>} : memref<16x128xf32, #tpu.memory_space<vmem>>, vector<1x16xf32>,
    %swap3A_177 = arith.constant 3 : i32
    %swap3A_178 = arith.index_cast %swap3A_177 : i32 to index
    %swap3A_179 = arith.constant 0 : index
    %swap3A_180 = tpu.vector_load %arg21[%swap3A_178, %swap3A_179] {strides = array<i32>} : memref<16x128xf32, #tpu.memory_space<vmem>>, vector<1x16xf32>,
    %swap3A_181 = vector.shape_cast %swap3A_180 : vector<1x16xf32> to vector<16xf32>
    %swap3A_182 = vector.shape_cast %broadcast_in_dim3A_33 : vector<16xf32> to vector<1x16xf32>
    tpu.vector_store %arg21[%swap3A_178, %swap3A_179], %swap3A_182 {strides = array<i32>} : memref<16x128xf32, #tpu.memory_space<vmem>>, vector<1x16xf32>,
    %swap3A_183 = arith.constant 3 : i32
    %swap3A_184 = arith.index_cast %swap3A_183 : i32 to index
    %swap3A_185 = arith.constant 16 : index
    %swap3A_186 = tpu.vector_load %arg21[%swap3A_184, %swap3A_185] {strides = array<i32>} : memref<16x128xf32, #tpu.memory_space<vmem>>, vector<1x16xf32>,
    %swap3A_187 = vector.shape_cast %swap3A_186 : vector<1x16xf32> to vector<16xf32>
    %swap3A_188 = vector.shape_cast %broadcast_in_dim3A_33 : vector<16xf32> to vector<1x16xf32>
    tpu.vector_store %arg21[%swap3A_184, %swap3A_185], %swap3A_188 {strides = array<i32>} : memref<16x128xf32, #tpu.memory_space<vmem>>, vector<1x16xf32>,
    %swap3A_189 = arith.constant 3 : i32
    %swap3A_190 = arith.index_cast %swap3A_189 : i32 to index
    %swap3A_191 = arith.constant 32 : index
    %swap3A_192 = tpu.vector_load %arg21[%swap3A_190, %swap3A_191] {strides = array<i32>} : memref<16x128xf32, #tpu.memory_space<vmem>>, vector<1x16xf32>,
    %swap3A_193 = vector.shape_cast %swap3A_192 : vector<1x16xf32> to vector<16xf32>
    %swap3A_194 = vector.shape_cast %broadcast_in_dim3A_33 : vector<16xf32> to vector<1x16xf32>
    tpu.vector_store %arg21[%swap3A_190, %swap3A_191], %swap3A_194 {strides = array<i32>} : memref<16x128xf32, #tpu.memory_space<vmem>>, vector<1x16xf32>,
    %swap3A_195 = arith.constant 3 : i32
    %swap3A_196 = arith.index_cast %swap3A_195 : i32 to index
    %swap3A_197 = arith.constant 48 : index
    %swap3A_198 = tpu.vector_load %arg21[%swap3A_196, %swap3A_197] {strides = array<i32>} : memref<16x128xf32, #tpu.memory_space<vmem>>, vector<1x16xf32>,
    %swap3A_199 = vector.shape_cast %swap3A_198 : vector<1x16xf32> to vector<16xf32>
    %swap3A_200 = vector.shape_cast %broadcast_in_dim3A_33 : vector<16xf32> to vector<1x16xf32>
    tpu.vector_store %arg21[%swap3A_196, %swap3A_197], %swap3A_200 {strides = array<i32>} : memref<16x128xf32, #tpu.memory_space<vmem>>, vector<1x16xf32>,
    %swap3A_201 = arith.constant 3 : i32
    %swap3A_202 = arith.index_cast %swap3A_201 : i32 to index
    %swap3A_203 = arith.constant 64 : index
    %swap3A_204 = tpu.vector_load %arg21[%swap3A_202, %swap3A_203] {strides = array<i32>} : memref<16x128xf32, #tpu.memory_space<vmem>>, vector<1x16xf32>,
    %swap3A_205 = vector.shape_cast %swap3A_204 : vector<1x16xf32> to vector<16xf32>
    %swap3A_206 = vector.shape_cast %broadcast_in_dim3A_33 : vector<16xf32> to vector<1x16xf32>
    tpu.vector_store %arg21[%swap3A_202, %swap3A_203], %swap3A_206 {strides = array<i32>} : memref<16x128xf32, #tpu.memory_space<vmem>>, vector<1x16xf32>,
    %swap3A_207 = arith.constant 3 : i32
    %swap3A_208 = arith.index_cast %swap3A_207 : i32 to index
    %swap3A_209 = arith.constant 80 : index
    %swap3A_210 = tpu.vector_load %arg21[%swap3A_208, %swap3A_209] {strides = array<i32>} : memref<16x128xf32, #tpu.memory_space<vmem>>, vector<1x16xf32>,
    %swap3A_211 = vector.shape_cast %swap3A_210 : vector<1x16xf32> to vector<16xf32>
    %swap3A_212 = vector.shape_cast %broadcast_in_dim3A_33 : vector<16xf32> to vector<1x16xf32>
    tpu.vector_store %arg21[%swap3A_208, %swap3A_209], %swap3A_212 {strides = array<i32>} : memref<16x128xf32, #tpu.memory_space<vmem>>, vector<1x16xf32>,
    %swap3A_213 = arith.constant 3 : i32
    %swap3A_214 = arith.index_cast %swap3A_213 : i32 to index
    %swap3A_215 = arith.constant 96 : index
    %swap3A_216 = tpu.vector_load %arg21[%swap3A_214, %swap3A_215] {strides = array<i32>} : memref<16x128xf32, #tpu.memory_space<vmem>>, vector<1x16xf32>,
    %swap3A_217 = vector.shape_cast %swap3A_216 : vector<1x16xf32> to vector<16xf32>
    %swap3A_218 = vector.shape_cast %broadcast_in_dim3A_33 : vector<16xf32> to vector<1x16xf32>
    tpu.vector_store %arg21[%swap3A_214, %swap3A_215], %swap3A_218 {strides = array<i32>} : memref<16x128xf32, #tpu.memory_space<vmem>>, vector<1x16xf32>,
    %swap3A_219 = arith.constant 3 : i32
    %swap3A_220 = arith.index_cast %swap3A_219 : i32 to index
    %swap3A_221 = arith.constant 112 : index
    %swap3A_222 = tpu.vector_load %arg21[%swap3A_220, %swap3A_221] {strides = array<i32>} : memref<16x128xf32, #tpu.memory_space<vmem>>, vector<1x16xf32>,
    %swap3A_223 = vector.shape_cast %swap3A_222 : vector<1x16xf32> to vector<16xf32>
    %swap3A_224 = vector.shape_cast %broadcast_in_dim3A_33 : vector<16xf32> to vector<1x16xf32>
    tpu.vector_store %arg21[%swap3A_220, %swap3A_221], %swap3A_224 {strides = array<i32>} : memref<16x128xf32, #tpu.memory_space<vmem>>, vector<1x16xf32>,
    %swap3A_225 = arith.constant 4 : i32
    %swap3A_226 = arith.index_cast %swap3A_225 : i32 to index
    %swap3A_227 = arith.constant 0 : index
    %swap3A_228 = tpu.vector_load %arg21[%swap3A_226, %swap3A_227] {strides = array<i32>} : memref<16x128xf32, #tpu.memory_space<vmem>>, vector<1x16xf32>,
    %swap3A_229 = vector.shape_cast %swap3A_228 : vector<1x16xf32> to vector<16xf32>
    %swap3A_230 = vector.shape_cast %broadcast_in_dim3A_33 : vector<16xf32> to vector<1x16xf32>
    tpu.vector_store %arg21[%swap3A_226, %swap3A_227], %swap3A_230 {strides = array<i32>} : memref<16x128xf32, #tpu.memory_space<vmem>>, vector<1x16xf32>,
    %swap3A_231 = arith.constant 4 : i32
    %swap3A_232 = arith.index_cast %swap3A_231 : i32 to index
    %swap3A_233 = arith.constant 16 : index
    %swap3A_234 = tpu.vector_load %arg21[%swap3A_232, %swap3A_233] {strides = array<i32>} : memref<16x128xf32, #tpu.memory_space<vmem>>, vector<1x16xf32>,
    %swap3A_235 = vector.shape_cast %swap3A_234 : vector<1x16xf32> to vector<16xf32>
    %swap3A_236 = vector.shape_cast %broadcast_in_dim3A_33 : vector<16xf32> to vector<1x16xf32>
    tpu.vector_store %arg21[%swap3A_232, %swap3A_233], %swap3A_236 {strides = array<i32>} : memref<16x128xf32, #tpu.memory_space<vmem>>, vector<1x16xf32>,
    %swap3A_237 = arith.constant 4 : i32
    %swap3A_238 = arith.index_cast %swap3A_237 : i32 to index
    %swap3A_239 = arith.constant 32 : index
    %swap3A_240 = tpu.vector_load %arg21[%swap3A_238, %swap3A_239] {strides = array<i32>} : memref<16x128xf32, #tpu.memory_space<vmem>>, vector<1x16xf32>,
    %swap3A_241 = vector.shape_cast %swap3A_240 : vector<1x16xf32> to vector<16xf32>
    %swap3A_242 = vector.shape_cast %broadcast_in_dim3A_33 : vector<16xf32> to vector<1x16xf32>
    tpu.vector_store %arg21[%swap3A_238, %swap3A_239], %swap3A_242 {strides = array<i32>} : memref<16x128xf32, #tpu.memory_space<vmem>>, vector<1x16xf32>,
    %swap3A_243 = arith.constant 4 : i32
    %swap3A_244 = arith.index_cast %swap3A_243 : i32 to index
    %swap3A_245 = arith.constant 48 : index
    %swap3A_246 = tpu.vector_load %arg21[%swap3A_244, %swap3A_245] {strides = array<i32>} : memref<16x128xf32, #tpu.memory_space<vmem>>, vector<1x16xf32>,
    %swap3A_247 = vector.shape_cast %swap3A_246 : vector<1x16xf32> to vector<16xf32>
    %swap3A_248 = vector.shape_cast %broadcast_in_dim3A_33 : vector<16xf32> to vector<1x16xf32>
    tpu.vector_store %arg21[%swap3A_244, %swap3A_245], %swap3A_248 {strides = array<i32>} : memref<16x128xf32, #tpu.memory_space<vmem>>, vector<1x16xf32>,
    %swap3A_249 = arith.constant 4 : i32
    %swap3A_250 = arith.index_cast %swap3A_249 : i32 to index
    %swap3A_251 = arith.constant 64 : index
    %swap3A_252 = tpu.vector_load %arg21[%swap3A_250, %swap3A_251] {strides = array<i32>} : memref<16x128xf32, #tpu.memory_space<vmem>>, vector<1x16xf32>,
    %swap3A_253 = vector.shape_cast %swap3A_252 : vector<1x16xf32> to vector<16xf32>
    %swap3A_254 = vector.shape_cast %broadcast_in_dim3A_33 : vector<16xf32> to vector<1x16xf32>
    tpu.vector_store %arg21[%swap3A_250, %swap3A_251], %swap3A_254 {strides = array<i32>} : memref<16x128xf32, #tpu.memory_space<vmem>>, vector<1x16xf32>,
    %swap3A_255 = arith.constant 4 : i32
    %swap3A_256 = arith.index_cast %swap3A_255 : i32 to index
    %swap3A_257 = arith.constant 80 : index
    %swap3A_258 = tpu.vector_load %arg21[%swap3A_256, %swap3A_257] {strides = array<i32>} : memref<16x128xf32, #tpu.memory_space<vmem>>, vector<1x16xf32>,
    %swap3A_259 = vector.shape_cast %swap3A_258 : vector<1x16xf32> to vector<16xf32>
    %swap3A_260 = vector.shape_cast %broadcast_in_dim3A_33 : vector<16xf32> to vector<1x16xf32>
    tpu.vector_store %arg21[%swap3A_256, %swap3A_257], %swap3A_260 {strides = array<i32>} : memref<16x128xf32, #tpu.memory_space<vmem>>, vector<1x16xf32>,
    %swap3A_261 = arith.constant 4 : i32
    %swap3A_262 = arith.index_cast %swap3A_261 : i32 to index
    %swap3A_263 = arith.constant 96 : index
    %swap3A_264 = tpu.vector_load %arg21[%swap3A_262, %swap3A_263] {strides = array<i32>} : memref<16x128xf32, #tpu.memory_space<vmem>>, vector<1x16xf32>,
    %swap3A_265 = vector.shape_cast %swap3A_264 : vector<1x16xf32> to vector<16xf32>
    %swap3A_266 = vector.shape_cast %broadcast_in_dim3A_33 : vector<16xf32> to vector<1x16xf32>
    tpu.vector_store %arg21[%swap3A_262, %swap3A_263], %swap3A_266 {strides = array<i32>} : memref<16x128xf32, #tpu.memory_space<vmem>>, vector<1x16xf32>,
    %swap3A_267 = arith.constant 4 : i32
    %swap3A_268 = arith.index_cast %swap3A_267 : i32 to index
    %swap3A_269 = arith.constant 112 : index
    %swap3A_270 = tpu.vector_load %arg21[%swap3A_268, %swap3A_269] {strides = array<i32>} : memref<16x128xf32, #tpu.memory_space<vmem>>, vector<1x16xf32>,
    %swap3A_271 = vector.shape_cast %swap3A_270 : vector<1x16xf32> to vector<16xf32>
    %swap3A_272 = vector.shape_cast %broadcast_in_dim3A_33 : vector<16xf32> to vector<1x16xf32>
    tpu.vector_store %arg21[%swap3A_268, %swap3A_269], %swap3A_272 {strides = array<i32>} : memref<16x128xf32, #tpu.memory_space<vmem>>, vector<1x16xf32>,
    %swap3A_273 = arith.constant 5 : i32
    %swap3A_274 = arith.index_cast %swap3A_273 : i32 to index
    %swap3A_275 = arith.constant 0 : index
    %swap3A_276 = tpu.vector_load %arg21[%swap3A_274, %swap3A_275] {strides = array<i32>} : memref<16x128xf32, #tpu.memory_space<vmem>>, vector<1x16xf32>,
    %swap3A_277 = vector.shape_cast %swap3A_276 : vector<1x16xf32> to vector<16xf32>
    %swap3A_278 = vector.shape_cast %broadcast_in_dim3A_33 : vector<16xf32> to vector<1x16xf32>
    tpu.vector_store %arg21[%swap3A_274, %swap3A_275], %swap3A_278 {strides = array<i32>} : memref<16x128xf32, #tpu.memory_space<vmem>>, vector<1x16xf32>,
    %swap3A_279 = arith.constant 5 : i32
    %swap3A_280 = arith.index_cast %swap3A_279 : i32 to index
    %swap3A_281 = arith.constant 16 : index
    %swap3A_282 = tpu.vector_load %arg21[%swap3A_280, %swap3A_281] {strides = array<i32>} : memref<16x128xf32, #tpu.memory_space<vmem>>, vector<1x16xf32>,
    %swap3A_283 = vector.shape_cast %swap3A_282 : vector<1x16xf32> to vector<16xf32>
    %swap3A_284 = vector.shape_cast %broadcast_in_dim3A_33 : vector<16xf32> to vector<1x16xf32>
    tpu.vector_store %arg21[%swap3A_280, %swap3A_281], %swap3A_284 {strides = array<i32>} : memref<16x128xf32, #tpu.memory_space<vmem>>, vector<1x16xf32>,
    %swap3A_285 = arith.constant 5 : i32
    %swap3A_286 = arith.index_cast %swap3A_285 : i32 to index
    %swap3A_287 = arith.constant 32 : index
    %swap3A_288 = tpu.vector_load %arg21[%swap3A_286, %swap3A_287] {strides = array<i32>} : memref<16x128xf32, #tpu.memory_space<vmem>>, vector<1x16xf32>,
    %swap3A_289 = vector.shape_cast %swap3A_288 : vector<1x16xf32> to vector<16xf32>
    %swap3A_290 = vector.shape_cast %broadcast_in_dim3A_33 : vector<16xf32> to vector<1x16xf32>
    tpu.vector_store %arg21[%swap3A_286, %swap3A_287], %swap3A_290 {strides = array<i32>} : memref<16x128xf32, #tpu.memory_space<vmem>>, vector<1x16xf32>,
    %swap3A_291 = arith.constant 5 : i32
    %swap3A_292 = arith.index_cast %swap3A_291 : i32 to index
    %swap3A_293 = arith.constant 48 : index
    %swap3A_294 = tpu.vector_load %arg21[%swap3A_292, %swap3A_293] {strides = array<i32>} : memref<16x128xf32, #tpu.memory_space<vmem>>, vector<1x16xf32>,
    %swap3A_295 = vector.shape_cast %swap3A_294 : vector<1x16xf32> to vector<16xf32>
    %swap3A_296 = vector.shape_cast %broadcast_in_dim3A_33 : vector<16xf32> to vector<1x16xf32>
    tpu.vector_store %arg21[%swap3A_292, %swap3A_293], %swap3A_296 {strides = array<i32>} : memref<16x128xf32, #tpu.memory_space<vmem>>, vector<1x16xf32>,
    %swap3A_297 = arith.constant 5 : i32
    %swap3A_298 = arith.index_cast %swap3A_297 : i32 to index
    %swap3A_299 = arith.constant 64 : index
    %swap3A_300 = tpu.vector_load %arg21[%swap3A_298, %swap3A_299] {strides = array<i32>} : memref<16x128xf32, #tpu.memory_space<vmem>>, vector<1x16xf32>,
    %swap3A_301 = vector.shape_cast %swap3A_300 : vector<1x16xf32> to vector<16xf32>
    %swap3A_302 = vector.shape_cast %broadcast_in_dim3A_33 : vector<16xf32> to vector<1x16xf32>
    tpu.vector_store %arg21[%swap3A_298, %swap3A_299], %swap3A_302 {strides = array<i32>} : memref<16x128xf32, #tpu.memory_space<vmem>>, vector<1x16xf32>,
    %swap3A_303 = arith.constant 5 : i32
    %swap3A_304 = arith.index_cast %swap3A_303 : i32 to index
    %swap3A_305 = arith.constant 80 : index
    %swap3A_306 = tpu.vector_load %arg21[%swap3A_304, %swap3A_305] {strides = array<i32>} : memref<16x128xf32, #tpu.memory_space<vmem>>, vector<1x16xf32>,
    %swap3A_307 = vector.shape_cast %swap3A_306 : vector<1x16xf32> to vector<16xf32>
    %swap3A_308 = vector.shape_cast %broadcast_in_dim3A_33 : vector<16xf32> to vector<1x16xf32>
    tpu.vector_store %arg21[%swap3A_304, %swap3A_305], %swap3A_308 {strides = array<i32>} : memref<16x128xf32, #tpu.memory_space<vmem>>, vector<1x16xf32>,
    %swap3A_309 = arith.constant 5 : i32
    %swap3A_310 = arith.index_cast %swap3A_309 : i32 to index
    %swap3A_311 = arith.constant 96 : index
    %swap3A_312 = tpu.vector_load %arg21[%swap3A_310, %swap3A_311] {strides = array<i32>} : memref<16x128xf32, #tpu.memory_space<vmem>>, vector<1x16xf32>,
    %swap3A_313 = vector.shape_cast %swap3A_312 : vector<1x16xf32> to vector<16xf32>
    %swap3A_314 = vector.shape_cast %broadcast_in_dim3A_33 : vector<16xf32> to vector<1x16xf32>
    tpu.vector_store %arg21[%swap3A_310, %swap3A_311], %swap3A_314 {strides = array<i32>} : memref<16x128xf32, #tpu.memory_space<vmem>>, vector<1x16xf32>,
    %swap3A_315 = arith.constant 5 : i32
    %swap3A_316 = arith.index_cast %swap3A_315 : i32 to index
    %swap3A_317 = arith.constant 112 : index
    %swap3A_318 = tpu.vector_load %arg21[%swap3A_316, %swap3A_317] {strides = array<i32>} : memref<16x128xf32, #tpu.memory_space<vmem>>, vector<1x16xf32>,
    %swap3A_319 = vector.shape_cast %swap3A_318 : vector<1x16xf32> to vector<16xf32>
    %swap3A_320 = vector.shape_cast %broadcast_in_dim3A_33 : vector<16xf32> to vector<1x16xf32>
    tpu.vector_store %arg21[%swap3A_316, %swap3A_317], %swap3A_320 {strides = array<i32>} : memref<16x128xf32, #tpu.memory_space<vmem>>, vector<1x16xf32>,
    %swap3A_321 = arith.constant 6 : i32
    %swap3A_322 = arith.index_cast %swap3A_321 : i32 to index
    %swap3A_323 = arith.constant 0 : index
    %swap3A_324 = tpu.vector_load %arg21[%swap3A_322, %swap3A_323] {strides = array<i32>} : memref<16x128xf32, #tpu.memory_space<vmem>>, vector<1x16xf32>,
    %swap3A_325 = vector.shape_cast %swap3A_324 : vector<1x16xf32> to vector<16xf32>
    %swap3A_326 = vector.shape_cast %broadcast_in_dim3A_33 : vector<16xf32> to vector<1x16xf32>
    tpu.vector_store %arg21[%swap3A_322, %swap3A_323], %swap3A_326 {strides = array<i32>} : memref<16x128xf32, #tpu.memory_space<vmem>>, vector<1x16xf32>,
    %swap3A_327 = arith.constant 6 : i32
    %swap3A_328 = arith.index_cast %swap3A_327 : i32 to index
    %swap3A_329 = arith.constant 16 : index
    %swap3A_330 = tpu.vector_load %arg21[%swap3A_328, %swap3A_329] {strides = array<i32>} : memref<16x128xf32, #tpu.memory_space<vmem>>, vector<1x16xf32>,
    %swap3A_331 = vector.shape_cast %swap3A_330 : vector<1x16xf32> to vector<16xf32>
    %swap3A_332 = vector.shape_cast %broadcast_in_dim3A_33 : vector<16xf32> to vector<1x16xf32>
    tpu.vector_store %arg21[%swap3A_328, %swap3A_329], %swap3A_332 {strides = array<i32>} : memref<16x128xf32, #tpu.memory_space<vmem>>, vector<1x16xf32>,
    %swap3A_333 = arith.constant 6 : i32
    %swap3A_334 = arith.index_cast %swap3A_333 : i32 to index
    %swap3A_335 = arith.constant 32 : index
    %swap3A_336 = tpu.vector_load %arg21[%swap3A_334, %swap3A_335] {strides = array<i32>} : memref<16x128xf32, #tpu.memory_space<vmem>>, vector<1x16xf32>,
    %swap3A_337 = vector.shape_cast %swap3A_336 : vector<1x16xf32> to vector<16xf32>
    %swap3A_338 = vector.shape_cast %broadcast_in_dim3A_33 : vector<16xf32> to vector<1x16xf32>
    tpu.vector_store %arg21[%swap3A_334, %swap3A_335], %swap3A_338 {strides = array<i32>} : memref<16x128xf32, #tpu.memory_space<vmem>>, vector<1x16xf32>,
    %swap3A_339 = arith.constant 6 : i32
    %swap3A_340 = arith.index_cast %swap3A_339 : i32 to index
    %swap3A_341 = arith.constant 48 : index
    %swap3A_342 = tpu.vector_load %arg21[%swap3A_340, %swap3A_341] {strides = array<i32>} : memref<16x128xf32, #tpu.memory_space<vmem>>, vector<1x16xf32>,
    %swap3A_343 = vector.shape_cast %swap3A_342 : vector<1x16xf32> to vector<16xf32>
    %swap3A_344 = vector.shape_cast %broadcast_in_dim3A_33 : vector<16xf32> to vector<1x16xf32>
    tpu.vector_store %arg21[%swap3A_340, %swap3A_341], %swap3A_344 {strides = array<i32>} : memref<16x128xf32, #tpu.memory_space<vmem>>, vector<1x16xf32>,
    %swap3A_345 = arith.constant 6 : i32
    %swap3A_346 = arith.index_cast %swap3A_345 : i32 to index
    %swap3A_347 = arith.constant 64 : index
    %swap3A_348 = tpu.vector_load %arg21[%swap3A_346, %swap3A_347] {strides = array<i32>} : memref<16x128xf32, #tpu.memory_space<vmem>>, vector<1x16xf32>,
    %swap3A_349 = vector.shape_cast %swap3A_348 : vector<1x16xf32> to vector<16xf32>
    %swap3A_350 = vector.shape_cast %broadcast_in_dim3A_33 : vector<16xf32> to vector<1x16xf32>
    tpu.vector_store %arg21[%swap3A_346, %swap3A_347], %swap3A_350 {strides = array<i32>} : memref<16x128xf32, #tpu.memory_space<vmem>>, vector<1x16xf32>,
    %swap3A_351 = arith.constant 6 : i32
    %swap3A_352 = arith.index_cast %swap3A_351 : i32 to index
    %swap3A_353 = arith.constant 80 : index
    %swap3A_354 = tpu.vector_load %arg21[%swap3A_352, %swap3A_353] {strides = array<i32>} : memref<16x128xf32, #tpu.memory_space<vmem>>, vector<1x16xf32>,
    %swap3A_355 = vector.shape_cast %swap3A_354 : vector<1x16xf32> to vector<16xf32>
    %swap3A_356 = vector.shape_cast %broadcast_in_dim3A_33 : vector<16xf32> to vector<1x16xf32>
    tpu.vector_store %arg21[%swap3A_352, %swap3A_353], %swap3A_356 {strides = array<i32>} : memref<16x128xf32, #tpu.memory_space<vmem>>, vector<1x16xf32>,
    %swap3A_357 = arith.constant 6 : i32
    %swap3A_358 = arith.index_cast %swap3A_357 : i32 to index
    %swap3A_359 = arith.constant 96 : index
    %swap3A_360 = tpu.vector_load %arg21[%swap3A_358, %swap3A_359] {strides = array<i32>} : memref<16x128xf32, #tpu.memory_space<vmem>>, vector<1x16xf32>,
    %swap3A_361 = vector.shape_cast %swap3A_360 : vector<1x16xf32> to vector<16xf32>
    %swap3A_362 = vector.shape_cast %broadcast_in_dim3A_33 : vector<16xf32> to vector<1x16xf32>
    tpu.vector_store %arg21[%swap3A_358, %swap3A_359], %swap3A_362 {strides = array<i32>} : memref<16x128xf32, #tpu.memory_space<vmem>>, vector<1x16xf32>,
    %swap3A_363 = arith.constant 6 : i32
    %swap3A_364 = arith.index_cast %swap3A_363 : i32 to index
    %swap3A_365 = arith.constant 112 : index
    %swap3A_366 = tpu.vector_load %arg21[%swap3A_364, %swap3A_365] {strides = array<i32>} : memref<16x128xf32, #tpu.memory_space<vmem>>, vector<1x16xf32>,
    %swap3A_367 = vector.shape_cast %swap3A_366 : vector<1x16xf32> to vector<16xf32>
    %swap3A_368 = vector.shape_cast %broadcast_in_dim3A_33 : vector<16xf32> to vector<1x16xf32>
    tpu.vector_store %arg21[%swap3A_364, %swap3A_365], %swap3A_368 {strides = array<i32>} : memref<16x128xf32, #tpu.memory_space<vmem>>, vector<1x16xf32>,
    %swap3A_369 = arith.constant 7 : i32
    %swap3A_370 = arith.index_cast %swap3A_369 : i32 to index
    %swap3A_371 = arith.constant 0 : index
    %swap3A_372 = tpu.vector_load %arg21[%swap3A_370, %swap3A_371] {strides = array<i32>} : memref<16x128xf32, #tpu.memory_space<vmem>>, vector<1x16xf32>,
    %swap3A_373 = vector.shape_cast %swap3A_372 : vector<1x16xf32> to vector<16xf32>
    %swap3A_374 = vector.shape_cast %broadcast_in_dim3A_33 : vector<16xf32> to vector<1x16xf32>
    tpu.vector_store %arg21[%swap3A_370, %swap3A_371], %swap3A_374 {strides = array<i32>} : memref<16x128xf32, #tpu.memory_space<vmem>>, vector<1x16xf32>,
    %swap3A_375 = arith.constant 7 : i32
    %swap3A_376 = arith.index_cast %swap3A_375 : i32 to index
    %swap3A_377 = arith.constant 16 : index
    %swap3A_378 = tpu.vector_load %arg21[%swap3A_376, %swap3A_377] {strides = array<i32>} : memref<16x128xf32, #tpu.memory_space<vmem>>, vector<1x16xf32>,
    %swap3A_379 = vector.shape_cast %swap3A_378 : vector<1x16xf32> to vector<16xf32>
    %swap3A_380 = vector.shape_cast %broadcast_in_dim3A_33 : vector<16xf32> to vector<1x16xf32>
    tpu.vector_store %arg21[%swap3A_376, %swap3A_377], %swap3A_380 {strides = array<i32>} : memref<16x128xf32, #tpu.memory_space<vmem>>, vector<1x16xf32>,
    %swap3A_381 = arith.constant 7 : i32
    %swap3A_382 = arith.index_cast %swap3A_381 : i32 to index
    %swap3A_383 = arith.constant 32 : index
    %swap3A_384 = tpu.vector_load %arg21[%swap3A_382, %swap3A_383] {strides = array<i32>} : memref<16x128xf32, #tpu.memory_space<vmem>>, vector<1x16xf32>,
    %swap3A_385 = vector.shape_cast %swap3A_384 : vector<1x16xf32> to vector<16xf32>
    %swap3A_386 = vector.shape_cast %broadcast_in_dim3A_33 : vector<16xf32> to vector<1x16xf32>
    tpu.vector_store %arg21[%swap3A_382, %swap3A_383], %swap3A_386 {strides = array<i32>} : memref<16x128xf32, #tpu.memory_space<vmem>>, vector<1x16xf32>,
    %swap3A_387 = arith.constant 7 : i32
    %swap3A_388 = arith.index_cast %swap3A_387 : i32 to index
    %swap3A_389 = arith.constant 48 : index
    %swap3A_390 = tpu.vector_load %arg21[%swap3A_388, %swap3A_389] {strides = array<i32>} : memref<16x128xf32, #tpu.memory_space<vmem>>, vector<1x16xf32>,
    %swap3A_391 = vector.shape_cast %swap3A_390 : vector<1x16xf32> to vector<16xf32>
    %swap3A_392 = vector.shape_cast %broadcast_in_dim3A_33 : vector<16xf32> to vector<1x16xf32>
    tpu.vector_store %arg21[%swap3A_388, %swap3A_389], %swap3A_392 {strides = array<i32>} : memref<16x128xf32, #tpu.memory_space<vmem>>, vector<1x16xf32>,
    %swap3A_393 = arith.constant 7 : i32
    %swap3A_394 = arith.index_cast %swap3A_393 : i32 to index
    %swap3A_395 = arith.constant 64 : index
    %swap3A_396 = tpu.vector_load %arg21[%swap3A_394, %swap3A_395] {strides = array<i32>} : memref<16x128xf32, #tpu.memory_space<vmem>>, vector<1x16xf32>,
    %swap3A_397 = vector.shape_cast %swap3A_396 : vector<1x16xf32> to vector<16xf32>
    %swap3A_398 = vector.shape_cast %broadcast_in_dim3A_33 : vector<16xf32> to vector<1x16xf32>
    tpu.vector_store %arg21[%swap3A_394, %swap3A_395], %swap3A_398 {strides = array<i32>} : memref<16x128xf32, #tpu.memory_space<vmem>>, vector<1x16xf32>,
    %swap3A_399 = arith.constant 7 : i32
    %swap3A_400 = arith.index_cast %swap3A_399 : i32 to index
    %swap3A_401 = arith.constant 80 : index
    %swap3A_402 = tpu.vector_load %arg21[%swap3A_400, %swap3A_401] {strides = array<i32>} : memref<16x128xf32, #tpu.memory_space<vmem>>, vector<1x16xf32>,
    %swap3A_403 = vector.shape_cast %swap3A_402 : vector<1x16xf32> to vector<16xf32>
    %swap3A_404 = vector.shape_cast %broadcast_in_dim3A_33 : vector<16xf32> to vector<1x16xf32>
    tpu.vector_store %arg21[%swap3A_400, %swap3A_401], %swap3A_404 {strides = array<i32>} : memref<16x128xf32, #tpu.memory_space<vmem>>, vector<1x16xf32>,
    %swap3A_405 = arith.constant 7 : i32
    %swap3A_406 = arith.index_cast %swap3A_405 : i32 to index
    %swap3A_407 = arith.constant 96 : index
    %swap3A_408 = tpu.vector_load %arg21[%swap3A_406, %swap3A_407] {strides = array<i32>} : memref<16x128xf32, #tpu.memory_space<vmem>>, vector<1x16xf32>,
    %swap3A_409 = vector.shape_cast %swap3A_408 : vector<1x16xf32> to vector<16xf32>
    %swap3A_410 = vector.shape_cast %broadcast_in_dim3A_33 : vector<16xf32> to vector<1x16xf32>
    tpu.vector_store %arg21[%swap3A_406, %swap3A_407], %swap3A_410 {strides = array<i32>} : memref<16x128xf32, #tpu.memory_space<vmem>>, vector<1x16xf32>,
    %swap3A_411 = arith.constant 7 : i32
    %swap3A_412 = arith.index_cast %swap3A_411 : i32 to index
    %swap3A_413 = arith.constant 112 : index
    %swap3A_414 = tpu.vector_load %arg21[%swap3A_412, %swap3A_413] {strides = array<i32>} : memref<16x128xf32, #tpu.memory_space<vmem>>, vector<1x16xf32>,
    %swap3A_415 = vector.shape_cast %swap3A_414 : vector<1x16xf32> to vector<16xf32>
    %swap3A_416 = vector.shape_cast %broadcast_in_dim3A_33 : vector<16xf32> to vector<1x16xf32>
    tpu.vector_store %arg21[%swap3A_412, %swap3A_413], %swap3A_416 {strides = array<i32>} : memref<16x128xf32, #tpu.memory_space<vmem>>, vector<1x16xf32>,
    %swap3A_417 = arith.constant 8 : i32
    %swap3A_418 = arith.index_cast %swap3A_417 : i32 to index
    %swap3A_419 = arith.constant 0 : index
    %swap3A_420 = tpu.vector_load %arg21[%swap3A_418, %swap3A_419] {strides = array<i32>} : memref<16x128xf32, #tpu.memory_space<vmem>>, vector<1x16xf32>,
    %swap3A_421 = vector.shape_cast %swap3A_420 : vector<1x16xf32> to vector<16xf32>
    %swap3A_422 = vector.shape_cast %broadcast_in_dim3A_33 : vector<16xf32> to vector<1x16xf32>
    tpu.vector_store %arg21[%swap3A_418, %swap3A_419], %swap3A_422 {strides = array<i32>} : memref<16x128xf32, #tpu.memory_space<vmem>>, vector<1x16xf32>,
    %swap3A_423 = arith.constant 8 : i32
    %swap3A_424 = arith.index_cast %swap3A_423 : i32 to index
    %swap3A_425 = arith.constant 16 : index
    %swap3A_426 = tpu.vector_load %arg21[%swap3A_424, %swap3A_425] {strides = array<i32>} : memref<16x128xf32, #tpu.memory_space<vmem>>, vector<1x16xf32>,
    %swap3A_427 = vector.shape_cast %swap3A_426 : vector<1x16xf32> to vector<16xf32>
    %swap3A_428 = vector.shape_cast %broadcast_in_dim3A_33 : vector<16xf32> to vector<1x16xf32>
    tpu.vector_store %arg21[%swap3A_424, %swap3A_425], %swap3A_428 {strides = array<i32>} : memref<16x128xf32, #tpu.memory_space<vmem>>, vector<1x16xf32>,
    %swap3A_429 = arith.constant 8 : i32
    %swap3A_430 = arith.index_cast %swap3A_429 : i32 to index
    %swap3A_431 = arith.constant 32 : index
    %swap3A_432 = tpu.vector_load %arg21[%swap3A_430, %swap3A_431] {strides = array<i32>} : memref<16x128xf32, #tpu.memory_space<vmem>>, vector<1x16xf32>,
    %swap3A_433 = vector.shape_cast %swap3A_432 : vector<1x16xf32> to vector<16xf32>
    %swap3A_434 = vector.shape_cast %broadcast_in_dim3A_33 : vector<16xf32> to vector<1x16xf32>
    tpu.vector_store %arg21[%swap3A_430, %swap3A_431], %swap3A_434 {strides = array<i32>} : memref<16x128xf32, #tpu.memory_space<vmem>>, vector<1x16xf32>,
    %swap3A_435 = arith.constant 8 : i32
    %swap3A_436 = arith.index_cast %swap3A_435 : i32 to index
    %swap3A_437 = arith.constant 48 : index
    %swap3A_438 = tpu.vector_load %arg21[%swap3A_436, %swap3A_437] {strides = array<i32>} : memref<16x128xf32, #tpu.memory_space<vmem>>, vector<1x16xf32>,
    %swap3A_439 = vector.shape_cast %swap3A_438 : vector<1x16xf32> to vector<16xf32>
    %swap3A_440 = vector.shape_cast %broadcast_in_dim3A_33 : vector<16xf32> to vector<1x16xf32>
    tpu.vector_store %arg21[%swap3A_436, %swap3A_437], %swap3A_440 {strides = array<i32>} : memref<16x128xf32, #tpu.memory_space<vmem>>, vector<1x16xf32>,
    %swap3A_441 = arith.constant 8 : i32
    %swap3A_442 = arith.index_cast %swap3A_441 : i32 to index
    %swap3A_443 = arith.constant 64 : index
    %swap3A_444 = tpu.vector_load %arg21[%swap3A_442, %swap3A_443] {strides = array<i32>} : memref<16x128xf32, #tpu.memory_space<vmem>>, vector<1x16xf32>,
    %swap3A_445 = vector.shape_cast %swap3A_444 : vector<1x16xf32> to vector<16xf32>
    %swap3A_446 = vector.shape_cast %broadcast_in_dim3A_33 : vector<16xf32> to vector<1x16xf32>
    tpu.vector_store %arg21[%swap3A_442, %swap3A_443], %swap3A_446 {strides = array<i32>} : memref<16x128xf32, #tpu.memory_space<vmem>>, vector<1x16xf32>,
    %swap3A_447 = arith.constant 8 : i32
    %swap3A_448 = arith.index_cast %swap3A_447 : i32 to index
    %swap3A_449 = arith.constant 80 : index
    %swap3A_450 = tpu.vector_load %arg21[%swap3A_448, %swap3A_449] {strides = array<i32>} : memref<16x128xf32, #tpu.memory_space<vmem>>, vector<1x16xf32>,
    %swap3A_451 = vector.shape_cast %swap3A_450 : vector<1x16xf32> to vector<16xf32>
    %swap3A_452 = vector.shape_cast %broadcast_in_dim3A_33 : vector<16xf32> to vector<1x16xf32>
    tpu.vector_store %arg21[%swap3A_448, %swap3A_449], %swap3A_452 {strides = array<i32>} : memref<16x128xf32, #tpu.memory_space<vmem>>, vector<1x16xf32>,
    %swap3A_453 = arith.constant 8 : i32
    %swap3A_454 = arith.index_cast %swap3A_453 : i32 to index
    %swap3A_455 = arith.constant 96 : index
    %swap3A_456 = tpu.vector_load %arg21[%swap3A_454, %swap3A_455] {strides = array<i32>} : memref<16x128xf32, #tpu.memory_space<vmem>>, vector<1x16xf32>,
    %swap3A_457 = vector.shape_cast %swap3A_456 : vector<1x16xf32> to vector<16xf32>
    %swap3A_458 = vector.shape_cast %broadcast_in_dim3A_33 : vector<16xf32> to vector<1x16xf32>
    tpu.vector_store %arg21[%swap3A_454, %swap3A_455], %swap3A_458 {strides = array<i32>} : memref<16x128xf32, #tpu.memory_space<vmem>>, vector<1x16xf32>,
    %swap3A_459 = arith.constant 8 : i32
    %swap3A_460 = arith.index_cast %swap3A_459 : i32 to index
    %swap3A_461 = arith.constant 112 : index
    %swap3A_462 = tpu.vector_load %arg21[%swap3A_460, %swap3A_461] {strides = array<i32>} : memref<16x128xf32, #tpu.memory_space<vmem>>, vector<1x16xf32>,
    %swap3A_463 = vector.shape_cast %swap3A_462 : vector<1x16xf32> to vector<16xf32>
    %swap3A_464 = vector.shape_cast %broadcast_in_dim3A_33 : vector<16xf32> to vector<1x16xf32>
    tpu.vector_store %arg21[%swap3A_460, %swap3A_461], %swap3A_464 {strides = array<i32>} : memref<16x128xf32, #tpu.memory_space<vmem>>, vector<1x16xf32>,
    %swap3A_465 = arith.constant 9 : i32
    %swap3A_466 = arith.index_cast %swap3A_465 : i32 to index
    %swap3A_467 = arith.constant 0 : index
    %swap3A_468 = tpu.vector_load %arg21[%swap3A_466, %swap3A_467] {strides = array<i32>} : memref<16x128xf32, #tpu.memory_space<vmem>>, vector<1x16xf32>,
    %swap3A_469 = vector.shape_cast %swap3A_468 : vector<1x16xf32> to vector<16xf32>
    %swap3A_470 = vector.shape_cast %broadcast_in_dim3A_33 : vector<16xf32> to vector<1x16xf32>
    tpu.vector_store %arg21[%swap3A_466, %swap3A_467], %swap3A_470 {strides = array<i32>} : memref<16x128xf32, #tpu.memory_space<vmem>>, vector<1x16xf32>,
    %swap3A_471 = arith.constant 9 : i32
    %swap3A_472 = arith.index_cast %swap3A_471 : i32 to index
    %swap3A_473 = arith.constant 16 : index
    %swap3A_474 = tpu.vector_load %arg21[%swap3A_472, %swap3A_473] {strides = array<i32>} : memref<16x128xf32, #tpu.memory_space<vmem>>, vector<1x16xf32>,
    %swap3A_475 = vector.shape_cast %swap3A_474 : vector<1x16xf32> to vector<16xf32>
    %swap3A_476 = vector.shape_cast %broadcast_in_dim3A_33 : vector<16xf32> to vector<1x16xf32>
    tpu.vector_store %arg21[%swap3A_472, %swap3A_473], %swap3A_476 {strides = array<i32>} : memref<16x128xf32, #tpu.memory_space<vmem>>, vector<1x16xf32>,
    %swap3A_477 = arith.constant 9 : i32
    %swap3A_478 = arith.index_cast %swap3A_477 : i32 to index
    %swap3A_479 = arith.constant 32 : index
    %swap3A_480 = tpu.vector_load %arg21[%swap3A_478, %swap3A_479] {strides = array<i32>} : memref<16x128xf32, #tpu.memory_space<vmem>>, vector<1x16xf32>,
    %swap3A_481 = vector.shape_cast %swap3A_480 : vector<1x16xf32> to vector<16xf32>
    %swap3A_482 = vector.shape_cast %broadcast_in_dim3A_33 : vector<16xf32> to vector<1x16xf32>
    tpu.vector_store %arg21[%swap3A_478, %swap3A_479], %swap3A_482 {strides = array<i32>} : memref<16x128xf32, #tpu.memory_space<vmem>>, vector<1x16xf32>,
    %swap3A_483 = arith.constant 9 : i32
    %swap3A_484 = arith.index_cast %swap3A_483 : i32 to index
    %swap3A_485 = arith.constant 48 : index
    %swap3A_486 = tpu.vector_load %arg21[%swap3A_484, %swap3A_485] {strides = array<i32>} : memref<16x128xf32, #tpu.memory_space<vmem>>, vector<1x16xf32>,
    %swap3A_487 = vector.shape_cast %swap3A_486 : vector<1x16xf32> to vector<16xf32>
    %swap3A_488 = vector.shape_cast %broadcast_in_dim3A_33 : vector<16xf32> to vector<1x16xf32>
    tpu.vector_store %arg21[%swap3A_484, %swap3A_485], %swap3A_488 {strides = array<i32>} : memref<16x128xf32, #tpu.memory_space<vmem>>, vector<1x16xf32>,
    %swap3A_489 = arith.constant 9 : i32
    %swap3A_490 = arith.index_cast %swap3A_489 : i32 to index
    %swap3A_491 = arith.constant 64 : index
    %swap3A_492 = tpu.vector_load %arg21[%swap3A_490, %swap3A_491] {strides = array<i32>} : memref<16x128xf32, #tpu.memory_space<vmem>>, vector<1x16xf32>,
    %swap3A_493 = vector.shape_cast %swap3A_492 : vector<1x16xf32> to vector<16xf32>
    %swap3A_494 = vector.shape_cast %broadcast_in_dim3A_33 : vector<16xf32> to vector<1x16xf32>
    tpu.vector_store %arg21[%swap3A_490, %swap3A_491], %swap3A_494 {strides = array<i32>} : memref<16x128xf32, #tpu.memory_space<vmem>>, vector<1x16xf32>,
    %swap3A_495 = arith.constant 9 : i32
    %swap3A_496 = arith.index_cast %swap3A_495 : i32 to index
    %swap3A_497 = arith.constant 80 : index
    %swap3A_498 = tpu.vector_load %arg21[%swap3A_496, %swap3A_497] {strides = array<i32>} : memref<16x128xf32, #tpu.memory_space<vmem>>, vector<1x16xf32>,
    %swap3A_499 = vector.shape_cast %swap3A_498 : vector<1x16xf32> to vector<16xf32>
    %swap3A_500 = vector.shape_cast %broadcast_in_dim3A_33 : vector<16xf32> to vector<1x16xf32>
    tpu.vector_store %arg21[%swap3A_496, %swap3A_497], %swap3A_500 {strides = array<i32>} : memref<16x128xf32, #tpu.memory_space<vmem>>, vector<1x16xf32>,
    %swap3A_501 = arith.constant 9 : i32
    %swap3A_502 = arith.index_cast %swap3A_501 : i32 to index
    %swap3A_503 = arith.constant 96 : index
    %swap3A_504 = tpu.vector_load %arg21[%swap3A_502, %swap3A_503] {strides = array<i32>} : memref<16x128xf32, #tpu.memory_space<vmem>>, vector<1x16xf32>,
    %swap3A_505 = vector.shape_cast %swap3A_504 : vector<1x16xf32> to vector<16xf32>
    %swap3A_506 = vector.shape_cast %broadcast_in_dim3A_33 : vector<16xf32> to vector<1x16xf32>
    tpu.vector_store %arg21[%swap3A_502, %swap3A_503], %swap3A_506 {strides = array<i32>} : memref<16x128xf32, #tpu.memory_space<vmem>>, vector<1x16xf32>,
    %swap3A_507 = arith.constant 9 : i32
    %swap3A_508 = arith.index_cast %swap3A_507 : i32 to index
    %swap3A_509 = arith.constant 112 : index
    %swap3A_510 = tpu.vector_load %arg21[%swap3A_508, %swap3A_509] {strides = array<i32>} : memref<16x128xf32, #tpu.memory_space<vmem>>, vector<1x16xf32>,
    %swap3A_511 = vector.shape_cast %swap3A_510 : vector<1x16xf32> to vector<16xf32>
    %swap3A_512 = vector.shape_cast %broadcast_in_dim3A_33 : vector<16xf32> to vector<1x16xf32>
    tpu.vector_store %arg21[%swap3A_508, %swap3A_509], %swap3A_512 {strides = array<i32>} : memref<16x128xf32, #tpu.memory_space<vmem>>, vector<1x16xf32>,
    %swap3A_513 = arith.constant 10 : i32
    %swap3A_514 = arith.index_cast %swap3A_513 : i32 to index
    %swap3A_515 = arith.constant 0 : index
    %swap3A_516 = tpu.vector_load %arg21[%swap3A_514, %swap3A_515] {strides = array<i32>} : memref<16x128xf32, #tpu.memory_space<vmem>>, vector<1x16xf32>,
    %swap3A_517 = vector.shape_cast %swap3A_516 : vector<1x16xf32> to vector<16xf32>
    %swap3A_518 = vector.shape_cast %broadcast_in_dim3A_33 : vector<16xf32> to vector<1x16xf32>
    tpu.vector_store %arg21[%swap3A_514, %swap3A_515], %swap3A_518 {strides = array<i32>} : memref<16x128xf32, #tpu.memory_space<vmem>>, vector<1x16xf32>,
    %swap3A_519 = arith.constant 10 : i32
    %swap3A_520 = arith.index_cast %swap3A_519 : i32 to index
    %swap3A_521 = arith.constant 16 : index
    %swap3A_522 = tpu.vector_load %arg21[%swap3A_520, %swap3A_521] {strides = array<i32>} : memref<16x128xf32, #tpu.memory_space<vmem>>, vector<1x16xf32>,
    %swap3A_523 = vector.shape_cast %swap3A_522 : vector<1x16xf32> to vector<16xf32>
    %swap3A_524 = vector.shape_cast %broadcast_in_dim3A_33 : vector<16xf32> to vector<1x16xf32>
    tpu.vector_store %arg21[%swap3A_520, %swap3A_521], %swap3A_524 {strides = array<i32>} : memref<16x128xf32, #tpu.memory_space<vmem>>, vector<1x16xf32>,
    %swap3A_525 = arith.constant 10 : i32
    %swap3A_526 = arith.index_cast %swap3A_525 : i32 to index
    %swap3A_527 = arith.constant 32 : index
    %swap3A_528 = tpu.vector_load %arg21[%swap3A_526, %swap3A_527] {strides = array<i32>} : memref<16x128xf32, #tpu.memory_space<vmem>>, vector<1x16xf32>,
    %swap3A_529 = vector.shape_cast %swap3A_528 : vector<1x16xf32> to vector<16xf32>
    %swap3A_530 = vector.shape_cast %broadcast_in_dim3A_33 : vector<16xf32> to vector<1x16xf32>
    tpu.vector_store %arg21[%swap3A_526, %swap3A_527], %swap3A_530 {strides = array<i32>} : memref<16x128xf32, #tpu.memory_space<vmem>>, vector<1x16xf32>,
    %swap3A_531 = arith.constant 10 : i32
    %swap3A_532 = arith.index_cast %swap3A_531 : i32 to index
    %swap3A_533 = arith.constant 48 : index
    %swap3A_534 = tpu.vector_load %arg21[%swap3A_532, %swap3A_533] {strides = array<i32>} : memref<16x128xf32, #tpu.memory_space<vmem>>, vector<1x16xf32>,
    %swap3A_535 = vector.shape_cast %swap3A_534 : vector<1x16xf32> to vector<16xf32>
    %swap3A_536 = vector.shape_cast %broadcast_in_dim3A_33 : vector<16xf32> to vector<1x16xf32>
    tpu.vector_store %arg21[%swap3A_532, %swap3A_533], %swap3A_536 {strides = array<i32>} : memref<16x128xf32, #tpu.memory_space<vmem>>, vector<1x16xf32>,
    %swap3A_537 = arith.constant 10 : i32
    %swap3A_538 = arith.index_cast %swap3A_537 : i32 to index
    %swap3A_539 = arith.constant 64 : index
    %swap3A_540 = tpu.vector_load %arg21[%swap3A_538, %swap3A_539] {strides = array<i32>} : memref<16x128xf32, #tpu.memory_space<vmem>>, vector<1x16xf32>,
    %swap3A_541 = vector.shape_cast %swap3A_540 : vector<1x16xf32> to vector<16xf32>
    %swap3A_542 = vector.shape_cast %broadcast_in_dim3A_33 : vector<16xf32> to vector<1x16xf32>
    tpu.vector_store %arg21[%swap3A_538, %swap3A_539], %swap3A_542 {strides = array<i32>} : memref<16x128xf32, #tpu.memory_space<vmem>>, vector<1x16xf32>,
    %swap3A_543 = arith.constant 10 : i32
    %swap3A_544 = arith.index_cast %swap3A_543 : i32 to index
    %swap3A_545 = arith.constant 80 : index
    %swap3A_546 = tpu.vector_load %arg21[%swap3A_544, %swap3A_545] {strides = array<i32>} : memref<16x128xf32, #tpu.memory_space<vmem>>, vector<1x16xf32>,
    %swap3A_547 = vector.shape_cast %swap3A_546 : vector<1x16xf32> to vector<16xf32>
    %swap3A_548 = vector.shape_cast %broadcast_in_dim3A_33 : vector<16xf32> to vector<1x16xf32>
    tpu.vector_store %arg21[%swap3A_544, %swap3A_545], %swap3A_548 {strides = array<i32>} : memref<16x128xf32, #tpu.memory_space<vmem>>, vector<1x16xf32>,
    %swap3A_549 = arith.constant 10 : i32
    %swap3A_550 = arith.index_cast %swap3A_549 : i32 to index
    %swap3A_551 = arith.constant 96 : index
    %swap3A_552 = tpu.vector_load %arg21[%swap3A_550, %swap3A_551] {strides = array<i32>} : memref<16x128xf32, #tpu.memory_space<vmem>>, vector<1x16xf32>,
    %swap3A_553 = vector.shape_cast %swap3A_552 : vector<1x16xf32> to vector<16xf32>
    %swap3A_554 = vector.shape_cast %broadcast_in_dim3A_33 : vector<16xf32> to vector<1x16xf32>
    tpu.vector_store %arg21[%swap3A_550, %swap3A_551], %swap3A_554 {strides = array<i32>} : memref<16x128xf32, #tpu.memory_space<vmem>>, vector<1x16xf32>,
    %swap3A_555 = arith.constant 10 : i32
    %swap3A_556 = arith.index_cast %swap3A_555 : i32 to index
    %swap3A_557 = arith.constant 112 : index
    %swap3A_558 = tpu.vector_load %arg21[%swap3A_556, %swap3A_557] {strides = array<i32>} : memref<16x128xf32, #tpu.memory_space<vmem>>, vector<1x16xf32>,
    %swap3A_559 = vector.shape_cast %swap3A_558 : vector<1x16xf32> to vector<16xf32>
    %swap3A_560 = vector.shape_cast %broadcast_in_dim3A_33 : vector<16xf32> to vector<1x16xf32>
    tpu.vector_store %arg21[%swap3A_556, %swap3A_557], %swap3A_560 {strides = array<i32>} : memref<16x128xf32, #tpu.memory_space<vmem>>, vector<1x16xf32>,
    %swap3A_561 = arith.constant 11 : i32
    %swap3A_562 = arith.index_cast %swap3A_561 : i32 to index
    %swap3A_563 = arith.constant 0 : index
    %swap3A_564 = tpu.vector_load %arg21[%swap3A_562, %swap3A_563] {strides = array<i32>} : memref<16x128xf32, #tpu.memory_space<vmem>>, vector<1x16xf32>,
    %swap3A_565 = vector.shape_cast %swap3A_564 : vector<1x16xf32> to vector<16xf32>
    %swap3A_566 = vector.shape_cast %broadcast_in_dim3A_33 : vector<16xf32> to vector<1x16xf32>
    tpu.vector_store %arg21[%swap3A_562, %swap3A_563], %swap3A_566 {strides = array<i32>} : memref<16x128xf32, #tpu.memory_space<vmem>>, vector<1x16xf32>,
    %swap3A_567 = arith.constant 11 : i32
    %swap3A_568 = arith.index_cast %swap3A_567 : i32 to index
    %swap3A_569 = arith.constant 16 : index
    %swap3A_570 = tpu.vector_load %arg21[%swap3A_568, %swap3A_569] {strides = array<i32>} : memref<16x128xf32, #tpu.memory_space<vmem>>, vector<1x16xf32>,
    %swap3A_571 = vector.shape_cast %swap3A_570 : vector<1x16xf32> to vector<16xf32>
    %swap3A_572 = vector.shape_cast %broadcast_in_dim3A_33 : vector<16xf32> to vector<1x16xf32>
    tpu.vector_store %arg21[%swap3A_568, %swap3A_569], %swap3A_572 {strides = array<i32>} : memref<16x128xf32, #tpu.memory_space<vmem>>, vector<1x16xf32>,
    %swap3A_573 = arith.constant 11 : i32
    %swap3A_574 = arith.index_cast %swap3A_573 : i32 to index
    %swap3A_575 = arith.constant 32 : index
    %swap3A_576 = tpu.vector_load %arg21[%swap3A_574, %swap3A_575] {strides = array<i32>} : memref<16x128xf32, #tpu.memory_space<vmem>>, vector<1x16xf32>,
    %swap3A_577 = vector.shape_cast %swap3A_576 : vector<1x16xf32> to vector<16xf32>
    %swap3A_578 = vector.shape_cast %broadcast_in_dim3A_33 : vector<16xf32> to vector<1x16xf32>
    tpu.vector_store %arg21[%swap3A_574, %swap3A_575], %swap3A_578 {strides = array<i32>} : memref<16x128xf32, #tpu.memory_space<vmem>>, vector<1x16xf32>,
    %swap3A_579 = arith.constant 11 : i32
    %swap3A_580 = arith.index_cast %swap3A_579 : i32 to index
    %swap3A_581 = arith.constant 48 : index
    %swap3A_582 = tpu.vector_load %arg21[%swap3A_580, %swap3A_581] {strides = array<i32>} : memref<16x128xf32, #tpu.memory_space<vmem>>, vector<1x16xf32>,
    %swap3A_583 = vector.shape_cast %swap3A_582 : vector<1x16xf32> to vector<16xf32>
    %swap3A_584 = vector.shape_cast %broadcast_in_dim3A_33 : vector<16xf32> to vector<1x16xf32>
    tpu.vector_store %arg21[%swap3A_580, %swap3A_581], %swap3A_584 {strides = array<i32>} : memref<16x128xf32, #tpu.memory_space<vmem>>, vector<1x16xf32>,
    %swap3A_585 = arith.constant 11 : i32
    %swap3A_586 = arith.index_cast %swap3A_585 : i32 to index
    %swap3A_587 = arith.constant 64 : index
    %swap3A_588 = tpu.vector_load %arg21[%swap3A_586, %swap3A_587] {strides = array<i32>} : memref<16x128xf32, #tpu.memory_space<vmem>>, vector<1x16xf32>,
    %swap3A_589 = vector.shape_cast %swap3A_588 : vector<1x16xf32> to vector<16xf32>
    %swap3A_590 = vector.shape_cast %broadcast_in_dim3A_33 : vector<16xf32> to vector<1x16xf32>
    tpu.vector_store %arg21[%swap3A_586, %swap3A_587], %swap3A_590 {strides = array<i32>} : memref<16x128xf32, #tpu.memory_space<vmem>>, vector<1x16xf32>,
    %swap3A_591 = arith.constant 11 : i32
    %swap3A_592 = arith.index_cast %swap3A_591 : i32 to index
    %swap3A_593 = arith.constant 80 : index
    %swap3A_594 = tpu.vector_load %arg21[%swap3A_592, %swap3A_593] {strides = array<i32>} : memref<16x128xf32, #tpu.memory_space<vmem>>, vector<1x16xf32>,
    %swap3A_595 = vector.shape_cast %swap3A_594 : vector<1x16xf32> to vector<16xf32>
    %swap3A_596 = vector.shape_cast %broadcast_in_dim3A_33 : vector<16xf32> to vector<1x16xf32>
    tpu.vector_store %arg21[%swap3A_592, %swap3A_593], %swap3A_596 {strides = array<i32>} : memref<16x128xf32, #tpu.memory_space<vmem>>, vector<1x16xf32>,
    %swap3A_597 = arith.constant 11 : i32
    %swap3A_598 = arith.index_cast %swap3A_597 : i32 to index
    %swap3A_599 = arith.constant 96 : index
    %swap3A_600 = tpu.vector_load %arg21[%swap3A_598, %swap3A_599] {strides = array<i32>} : memref<16x128xf32, #tpu.memory_space<vmem>>, vector<1x16xf32>,
    %swap3A_601 = vector.shape_cast %swap3A_600 : vector<1x16xf32> to vector<16xf32>
    %swap3A_602 = vector.shape_cast %broadcast_in_dim3A_33 : vector<16xf32> to vector<1x16xf32>
    tpu.vector_store %arg21[%swap3A_598, %swap3A_599], %swap3A_602 {strides = array<i32>} : memref<16x128xf32, #tpu.memory_space<vmem>>, vector<1x16xf32>,
    %swap3A_603 = arith.constant 11 : i32
    %swap3A_604 = arith.index_cast %swap3A_603 : i32 to index
    %swap3A_605 = arith.constant 112 : index
    %swap3A_606 = tpu.vector_load %arg21[%swap3A_604, %swap3A_605] {strides = array<i32>} : memref<16x128xf32, #tpu.memory_space<vmem>>, vector<1x16xf32>,
    %swap3A_607 = vector.shape_cast %swap3A_606 : vector<1x16xf32> to vector<16xf32>
    %swap3A_608 = vector.shape_cast %broadcast_in_dim3A_33 : vector<16xf32> to vector<1x16xf32>
    tpu.vector_store %arg21[%swap3A_604, %swap3A_605], %swap3A_608 {strides = array<i32>} : memref<16x128xf32, #tpu.memory_space<vmem>>, vector<1x16xf32>,
    %swap3A_609 = arith.constant 12 : i32
    %swap3A_610 = arith.index_cast %swap3A_609 : i32 to index
    %swap3A_611 = arith.constant 0 : index
    %swap3A_612 = tpu.vector_load %arg21[%swap3A_610, %swap3A_611] {strides = array<i32>} : memref<16x128xf32, #tpu.memory_space<vmem>>, vector<1x16xf32>,
    %swap3A_613 = vector.shape_cast %swap3A_612 : vector<1x16xf32> to vector<16xf32>
    %swap3A_614 = vector.shape_cast %broadcast_in_dim3A_33 : vector<16xf32> to vector<1x16xf32>
    tpu.vector_store %arg21[%swap3A_610, %swap3A_611], %swap3A_614 {strides = array<i32>} : memref<16x128xf32, #tpu.memory_space<vmem>>, vector<1x16xf32>,
    %swap3A_615 = arith.constant 12 : i32
    %swap3A_616 = arith.index_cast %swap3A_615 : i32 to index
    %swap3A_617 = arith.constant 16 : index
    %swap3A_618 = tpu.vector_load %arg21[%swap3A_616, %swap3A_617] {strides = array<i32>} : memref<16x128xf32, #tpu.memory_space<vmem>>, vector<1x16xf32>,
    %swap3A_619 = vector.shape_cast %swap3A_618 : vector<1x16xf32> to vector<16xf32>
    %swap3A_620 = vector.shape_cast %broadcast_in_dim3A_33 : vector<16xf32> to vector<1x16xf32>
    tpu.vector_store %arg21[%swap3A_616, %swap3A_617], %swap3A_620 {strides = array<i32>} : memref<16x128xf32, #tpu.memory_space<vmem>>, vector<1x16xf32>,
    %swap3A_621 = arith.constant 12 : i32
    %swap3A_622 = arith.index_cast %swap3A_621 : i32 to index
    %swap3A_623 = arith.constant 32 : index
    %swap3A_624 = tpu.vector_load %arg21[%swap3A_622, %swap3A_623] {strides = array<i32>} : memref<16x128xf32, #tpu.memory_space<vmem>>, vector<1x16xf32>,
    %swap3A_625 = vector.shape_cast %swap3A_624 : vector<1x16xf32> to vector<16xf32>
    %swap3A_626 = vector.shape_cast %broadcast_in_dim3A_33 : vector<16xf32> to vector<1x16xf32>
    tpu.vector_store %arg21[%swap3A_622, %swap3A_623], %swap3A_626 {strides = array<i32>} : memref<16x128xf32, #tpu.memory_space<vmem>>, vector<1x16xf32>,
    %swap3A_627 = arith.constant 12 : i32
    %swap3A_628 = arith.index_cast %swap3A_627 : i32 to index
    %swap3A_629 = arith.constant 48 : index
    %swap3A_630 = tpu.vector_load %arg21[%swap3A_628, %swap3A_629] {strides = array<i32>} : memref<16x128xf32, #tpu.memory_space<vmem>>, vector<1x16xf32>,
    %swap3A_631 = vector.shape_cast %swap3A_630 : vector<1x16xf32> to vector<16xf32>
    %swap3A_632 = vector.shape_cast %broadcast_in_dim3A_33 : vector<16xf32> to vector<1x16xf32>
    tpu.vector_store %arg21[%swap3A_628, %swap3A_629], %swap3A_632 {strides = array<i32>} : memref<16x128xf32, #tpu.memory_space<vmem>>, vector<1x16xf32>,
    %swap3A_633 = arith.constant 12 : i32
    %swap3A_634 = arith.index_cast %swap3A_633 : i32 to index
    %swap3A_635 = arith.constant 64 : index
    %swap3A_636 = tpu.vector_load %arg21[%swap3A_634, %swap3A_635] {strides = array<i32>} : memref<16x128xf32, #tpu.memory_space<vmem>>, vector<1x16xf32>,
    %swap3A_637 = vector.shape_cast %swap3A_636 : vector<1x16xf32> to vector<16xf32>
    %swap3A_638 = vector.shape_cast %broadcast_in_dim3A_33 : vector<16xf32> to vector<1x16xf32>
    tpu.vector_store %arg21[%swap3A_634, %swap3A_635], %swap3A_638 {strides = array<i32>} : memref<16x128xf32, #tpu.memory_space<vmem>>, vector<1x16xf32>,
    %swap3A_639 = arith.constant 12 : i32
    %swap3A_640 = arith.index_cast %swap3A_639 : i32 to index
    %swap3A_641 = arith.constant 80 : index
    %swap3A_642 = tpu.vector_load %arg21[%swap3A_640, %swap3A_641] {strides = array<i32>} : memref<16x128xf32, #tpu.memory_space<vmem>>, vector<1x16xf32>,
    %swap3A_643 = vector.shape_cast %swap3A_642 : vector<1x16xf32> to vector<16xf32>
    %swap3A_644 = vector.shape_cast %broadcast_in_dim3A_33 : vector<16xf32> to vector<1x16xf32>
    tpu.vector_store %arg21[%swap3A_640, %swap3A_641], %swap3A_644 {strides = array<i32>} : memref<16x128xf32, #tpu.memory_space<vmem>>, vector<1x16xf32>,
    %swap3A_645 = arith.constant 12 : i32
    %swap3A_646 = arith.index_cast %swap3A_645 : i32 to index
    %swap3A_647 = arith.constant 96 : index
    %swap3A_648 = tpu.vector_load %arg21[%swap3A_646, %swap3A_647] {strides = array<i32>} : memref<16x128xf32, #tpu.memory_space<vmem>>, vector<1x16xf32>,
    %swap3A_649 = vector.shape_cast %swap3A_648 : vector<1x16xf32> to vector<16xf32>
    %swap3A_650 = vector.shape_cast %broadcast_in_dim3A_33 : vector<16xf32> to vector<1x16xf32>
    tpu.vector_store %arg21[%swap3A_646, %swap3A_647], %swap3A_650 {strides = array<i32>} : memref<16x128xf32, #tpu.memory_space<vmem>>, vector<1x16xf32>,
    %swap3A_651 = arith.constant 12 : i32
    %swap3A_652 = arith.index_cast %swap3A_651 : i32 to index
    %swap3A_653 = arith.constant 112 : index
    %swap3A_654 = tpu.vector_load %arg21[%swap3A_652, %swap3A_653] {strides = array<i32>} : memref<16x128xf32, #tpu.memory_space<vmem>>, vector<1x16xf32>,
    %swap3A_655 = vector.shape_cast %swap3A_654 : vector<1x16xf32> to vector<16xf32>
    %swap3A_656 = vector.shape_cast %broadcast_in_dim3A_33 : vector<16xf32> to vector<1x16xf32>
    tpu.vector_store %arg21[%swap3A_652, %swap3A_653], %swap3A_656 {strides = array<i32>} : memref<16x128xf32, #tpu.memory_space<vmem>>, vector<1x16xf32>,
    %swap3A_657 = arith.constant 13 : i32
    %swap3A_658 = arith.index_cast %swap3A_657 : i32 to index
    %swap3A_659 = arith.constant 0 : index
    %swap3A_660 = tpu.vector_load %arg21[%swap3A_658, %swap3A_659] {strides = array<i32>} : memref<16x128xf32, #tpu.memory_space<vmem>>, vector<1x16xf32>,
    %swap3A_661 = vector.shape_cast %swap3A_660 : vector<1x16xf32> to vector<16xf32>
    %swap3A_662 = vector.shape_cast %broadcast_in_dim3A_33 : vector<16xf32> to vector<1x16xf32>
    tpu.vector_store %arg21[%swap3A_658, %swap3A_659], %swap3A_662 {strides = array<i32>} : memref<16x128xf32, #tpu.memory_space<vmem>>, vector<1x16xf32>,
    %swap3A_663 = arith.constant 13 : i32
    %swap3A_664 = arith.index_cast %swap3A_663 : i32 to index
    %swap3A_665 = arith.constant 16 : index
    %swap3A_666 = tpu.vector_load %arg21[%swap3A_664, %swap3A_665] {strides = array<i32>} : memref<16x128xf32, #tpu.memory_space<vmem>>, vector<1x16xf32>,
    %swap3A_667 = vector.shape_cast %swap3A_666 : vector<1x16xf32> to vector<16xf32>
    %swap3A_668 = vector.shape_cast %broadcast_in_dim3A_33 : vector<16xf32> to vector<1x16xf32>
    tpu.vector_store %arg21[%swap3A_664, %swap3A_665], %swap3A_668 {strides = array<i32>} : memref<16x128xf32, #tpu.memory_space<vmem>>, vector<1x16xf32>,
    %swap3A_669 = arith.constant 13 : i32
    %swap3A_670 = arith.index_cast %swap3A_669 : i32 to index
    %swap3A_671 = arith.constant 32 : index
    %swap3A_672 = tpu.vector_load %arg21[%swap3A_670, %swap3A_671] {strides = array<i32>} : memref<16x128xf32, #tpu.memory_space<vmem>>, vector<1x16xf32>,
    %swap3A_673 = vector.shape_cast %swap3A_672 : vector<1x16xf32> to vector<16xf32>
    %swap3A_674 = vector.shape_cast %broadcast_in_dim3A_33 : vector<16xf32> to vector<1x16xf32>
    tpu.vector_store %arg21[%swap3A_670, %swap3A_671], %swap3A_674 {strides = array<i32>} : memref<16x128xf32, #tpu.memory_space<vmem>>, vector<1x16xf32>,
    %swap3A_675 = arith.constant 13 : i32
    %swap3A_676 = arith.index_cast %swap3A_675 : i32 to index
    %swap3A_677 = arith.constant 48 : index
    %swap3A_678 = tpu.vector_load %arg21[%swap3A_676, %swap3A_677] {strides = array<i32>} : memref<16x128xf32, #tpu.memory_space<vmem>>, vector<1x16xf32>,
    %swap3A_679 = vector.shape_cast %swap3A_678 : vector<1x16xf32> to vector<16xf32>
    %swap3A_680 = vector.shape_cast %broadcast_in_dim3A_33 : vector<16xf32> to vector<1x16xf32>
    tpu.vector_store %arg21[%swap3A_676, %swap3A_677], %swap3A_680 {strides = array<i32>} : memref<16x128xf32, #tpu.memory_space<vmem>>, vector<1x16xf32>,
    %swap3A_681 = arith.constant 13 : i32
    %swap3A_682 = arith.index_cast %swap3A_681 : i32 to index
    %swap3A_683 = arith.constant 64 : index
    %swap3A_684 = tpu.vector_load %arg21[%swap3A_682, %swap3A_683] {strides = array<i32>} : memref<16x128xf32, #tpu.memory_space<vmem>>, vector<1x16xf32>,
    %swap3A_685 = vector.shape_cast %swap3A_684 : vector<1x16xf32> to vector<16xf32>
    %swap3A_686 = vector.shape_cast %broadcast_in_dim3A_33 : vector<16xf32> to vector<1x16xf32>
    tpu.vector_store %arg21[%swap3A_682, %swap3A_683], %swap3A_686 {strides = array<i32>} : memref<16x128xf32, #tpu.memory_space<vmem>>, vector<1x16xf32>,
    %swap3A_687 = arith.constant 13 : i32
    %swap3A_688 = arith.index_cast %swap3A_687 : i32 to index
    %swap3A_689 = arith.constant 80 : index
    %swap3A_690 = tpu.vector_load %arg21[%swap3A_688, %swap3A_689] {strides = array<i32>} : memref<16x128xf32, #tpu.memory_space<vmem>>, vector<1x16xf32>,
    %swap3A_691 = vector.shape_cast %swap3A_690 : vector<1x16xf32> to vector<16xf32>
    %swap3A_692 = vector.shape_cast %broadcast_in_dim3A_33 : vector<16xf32> to vector<1x16xf32>
    tpu.vector_store %arg21[%swap3A_688, %swap3A_689], %swap3A_692 {strides = array<i32>} : memref<16x128xf32, #tpu.memory_space<vmem>>, vector<1x16xf32>,
    %swap3A_693 = arith.constant 13 : i32
    %swap3A_694 = arith.index_cast %swap3A_693 : i32 to index
    %swap3A_695 = arith.constant 96 : index
    %swap3A_696 = tpu.vector_load %arg21[%swap3A_694, %swap3A_695] {strides = array<i32>} : memref<16x128xf32, #tpu.memory_space<vmem>>, vector<1x16xf32>,
    %swap3A_697 = vector.shape_cast %swap3A_696 : vector<1x16xf32> to vector<16xf32>
    %swap3A_698 = vector.shape_cast %broadcast_in_dim3A_33 : vector<16xf32> to vector<1x16xf32>
    tpu.vector_store %arg21[%swap3A_694, %swap3A_695], %swap3A_698 {strides = array<i32>} : memref<16x128xf32, #tpu.memory_space<vmem>>, vector<1x16xf32>,
    %swap3A_699 = arith.constant 13 : i32
    %swap3A_700 = arith.index_cast %swap3A_699 : i32 to index
    %swap3A_701 = arith.constant 112 : index
    %swap3A_702 = tpu.vector_load %arg21[%swap3A_700, %swap3A_701] {strides = array<i32>} : memref<16x128xf32, #tpu.memory_space<vmem>>, vector<1x16xf32>,
    %swap3A_703 = vector.shape_cast %swap3A_702 : vector<1x16xf32> to vector<16xf32>
    %swap3A_704 = vector.shape_cast %broadcast_in_dim3A_33 : vector<16xf32> to vector<1x16xf32>
    tpu.vector_store %arg21[%swap3A_700, %swap3A_701], %swap3A_704 {strides = array<i32>} : memref<16x128xf32, #tpu.memory_space<vmem>>, vector<1x16xf32>,
    %swap3A_705 = arith.constant 14 : i32
    %swap3A_706 = arith.index_cast %swap3A_705 : i32 to index
    %swap3A_707 = arith.constant 0 : index
    %swap3A_708 = tpu.vector_load %arg21[%swap3A_706, %swap3A_707] {strides = array<i32>} : memref<16x128xf32, #tpu.memory_space<vmem>>, vector<1x16xf32>,
    %swap3A_709 = vector.shape_cast %swap3A_708 : vector<1x16xf32> to vector<16xf32>
    %swap3A_710 = vector.shape_cast %broadcast_in_dim3A_33 : vector<16xf32> to vector<1x16xf32>
    tpu.vector_store %arg21[%swap3A_706, %swap3A_707], %swap3A_710 {strides = array<i32>} : memref<16x128xf32, #tpu.memory_space<vmem>>, vector<1x16xf32>,
    %swap3A_711 = arith.constant 14 : i32
    %swap3A_712 = arith.index_cast %swap3A_711 : i32 to index
    %swap3A_713 = arith.constant 16 : index
    %swap3A_714 = tpu.vector_load %arg21[%swap3A_712, %swap3A_713] {strides = array<i32>} : memref<16x128xf32, #tpu.memory_space<vmem>>, vector<1x16xf32>,
    %swap3A_715 = vector.shape_cast %swap3A_714 : vector<1x16xf32> to vector<16xf32>
    %swap3A_716 = vector.shape_cast %broadcast_in_dim3A_33 : vector<16xf32> to vector<1x16xf32>
    tpu.vector_store %arg21[%swap3A_712, %swap3A_713], %swap3A_716 {strides = array<i32>} : memref<16x128xf32, #tpu.memory_space<vmem>>, vector<1x16xf32>,
    %swap3A_717 = arith.constant 14 : i32
    %swap3A_718 = arith.index_cast %swap3A_717 : i32 to index
    %swap3A_719 = arith.constant 32 : index
    %swap3A_720 = tpu.vector_load %arg21[%swap3A_718, %swap3A_719] {strides = array<i32>} : memref<16x128xf32, #tpu.memory_space<vmem>>, vector<1x16xf32>,
    %swap3A_721 = vector.shape_cast %swap3A_720 : vector<1x16xf32> to vector<16xf32>
    %swap3A_722 = vector.shape_cast %broadcast_in_dim3A_33 : vector<16xf32> to vector<1x16xf32>
    tpu.vector_store %arg21[%swap3A_718, %swap3A_719], %swap3A_722 {strides = array<i32>} : memref<16x128xf32, #tpu.memory_space<vmem>>, vector<1x16xf32>,
    %swap3A_723 = arith.constant 14 : i32
    %swap3A_724 = arith.index_cast %swap3A_723 : i32 to index
    %swap3A_725 = arith.constant 48 : index
    %swap3A_726 = tpu.vector_load %arg21[%swap3A_724, %swap3A_725] {strides = array<i32>} : memref<16x128xf32, #tpu.memory_space<vmem>>, vector<1x16xf32>,
    %swap3A_727 = vector.shape_cast %swap3A_726 : vector<1x16xf32> to vector<16xf32>
    %swap3A_728 = vector.shape_cast %broadcast_in_dim3A_33 : vector<16xf32> to vector<1x16xf32>
    tpu.vector_store %arg21[%swap3A_724, %swap3A_725], %swap3A_728 {strides = array<i32>} : memref<16x128xf32, #tpu.memory_space<vmem>>, vector<1x16xf32>,
    %swap3A_729 = arith.constant 14 : i32
    %swap3A_730 = arith.index_cast %swap3A_729 : i32 to index
    %swap3A_731 = arith.constant 64 : index
    %swap3A_732 = tpu.vector_load %arg21[%swap3A_730, %swap3A_731] {strides = array<i32>} : memref<16x128xf32, #tpu.memory_space<vmem>>, vector<1x16xf32>,
    %swap3A_733 = vector.shape_cast %swap3A_732 : vector<1x16xf32> to vector<16xf32>
    %swap3A_734 = vector.shape_cast %broadcast_in_dim3A_33 : vector<16xf32> to vector<1x16xf32>
    tpu.vector_store %arg21[%swap3A_730, %swap3A_731], %swap3A_734 {strides = array<i32>} : memref<16x128xf32, #tpu.memory_space<vmem>>, vector<1x16xf32>,
    %swap3A_735 = arith.constant 14 : i32
    %swap3A_736 = arith.index_cast %swap3A_735 : i32 to index
    %swap3A_737 = arith.constant 80 : index
    %swap3A_738 = tpu.vector_load %arg21[%swap3A_736, %swap3A_737] {strides = array<i32>} : memref<16x128xf32, #tpu.memory_space<vmem>>, vector<1x16xf32>,
    %swap3A_739 = vector.shape_cast %swap3A_738 : vector<1x16xf32> to vector<16xf32>
    %swap3A_740 = vector.shape_cast %broadcast_in_dim3A_33 : vector<16xf32> to vector<1x16xf32>
    tpu.vector_store %arg21[%swap3A_736, %swap3A_737], %swap3A_740 {strides = array<i32>} : memref<16x128xf32, #tpu.memory_space<vmem>>, vector<1x16xf32>,
    %swap3A_741 = arith.constant 14 : i32
    %swap3A_742 = arith.index_cast %swap3A_741 : i32 to index
    %swap3A_743 = arith.constant 96 : index
    %swap3A_744 = tpu.vector_load %arg21[%swap3A_742, %swap3A_743] {strides = array<i32>} : memref<16x128xf32, #tpu.memory_space<vmem>>, vector<1x16xf32>,
    %swap3A_745 = vector.shape_cast %swap3A_744 : vector<1x16xf32> to vector<16xf32>
    %swap3A_746 = vector.shape_cast %broadcast_in_dim3A_33 : vector<16xf32> to vector<1x16xf32>
    tpu.vector_store %arg21[%swap3A_742, %swap3A_743], %swap3A_746 {strides = array<i32>} : memref<16x128xf32, #tpu.memory_space<vmem>>, vector<1x16xf32>,
    %swap3A_747 = arith.constant 14 : i32
    %swap3A_748 = arith.index_cast %swap3A_747 : i32 to index
    %swap3A_749 = arith.constant 112 : index
    %swap3A_750 = tpu.vector_load %arg21[%swap3A_748, %swap3A_749] {strides = array<i32>} : memref<16x128xf32, #tpu.memory_space<vmem>>, vector<1x16xf32>,
    %swap3A_751 = vector.shape_cast %swap3A_750 : vector<1x16xf32> to vector<16xf32>
    %swap3A_752 = vector.shape_cast %broadcast_in_dim3A_33 : vector<16xf32> to vector<1x16xf32>
    tpu.vector_store %arg21[%swap3A_748, %swap3A_749], %swap3A_752 {strides = array<i32>} : memref<16x128xf32, #tpu.memory_space<vmem>>, vector<1x16xf32>,
    %swap3A_753 = arith.constant 15 : i32
    %swap3A_754 = arith.index_cast %swap3A_753 : i32 to index
    %swap3A_755 = arith.constant 0 : index
    %swap3A_756 = tpu.vector_load %arg21[%swap3A_754, %swap3A_755] {strides = array<i32>} : memref<16x128xf32, #tpu.memory_space<vmem>>, vector<1x16xf32>,
    %swap3A_757 = vector.shape_cast %swap3A_756 : vector<1x16xf32> to vector<16xf32>
    %swap3A_758 = vector.shape_cast %broadcast_in_dim3A_33 : vector<16xf32> to vector<1x16xf32>
    tpu.vector_store %arg21[%swap3A_754, %swap3A_755], %swap3A_758 {strides = array<i32>} : memref<16x128xf32, #tpu.memory_space<vmem>>, vector<1x16xf32>,
    %swap3A_759 = arith.constant 15 : i32
    %swap3A_760 = arith.index_cast %swap3A_759 : i32 to index
    %swap3A_761 = arith.constant 16 : index
    %swap3A_762 = tpu.vector_load %arg21[%swap3A_760, %swap3A_761] {strides = array<i32>} : memref<16x128xf32, #tpu.memory_space<vmem>>, vector<1x16xf32>,
    %swap3A_763 = vector.shape_cast %swap3A_762 : vector<1x16xf32> to vector<16xf32>
    %swap3A_764 = vector.shape_cast %broadcast_in_dim3A_33 : vector<16xf32> to vector<1x16xf32>
    tpu.vector_store %arg21[%swap3A_760, %swap3A_761], %swap3A_764 {strides = array<i32>} : memref<16x128xf32, #tpu.memory_space<vmem>>, vector<1x16xf32>,
    %swap3A_765 = arith.constant 15 : i32
    %swap3A_766 = arith.index_cast %swap3A_765 : i32 to index
    %swap3A_767 = arith.constant 32 : index
    %swap3A_768 = tpu.vector_load %arg21[%swap3A_766, %swap3A_767] {strides = array<i32>} : memref<16x128xf32, #tpu.memory_space<vmem>>, vector<1x16xf32>,
    %swap3A_769 = vector.shape_cast %swap3A_768 : vector<1x16xf32> to vector<16xf32>
    %swap3A_770 = vector.shape_cast %broadcast_in_dim3A_33 : vector<16xf32> to vector<1x16xf32>
    tpu.vector_store %arg21[%swap3A_766, %swap3A_767], %swap3A_770 {strides = array<i32>} : memref<16x128xf32, #tpu.memory_space<vmem>>, vector<1x16xf32>,
    %swap3A_771 = arith.constant 15 : i32
    %swap3A_772 = arith.index_cast %swap3A_771 : i32 to index
    %swap3A_773 = arith.constant 48 : index
    %swap3A_774 = tpu.vector_load %arg21[%swap3A_772, %swap3A_773] {strides = array<i32>} : memref<16x128xf32, #tpu.memory_space<vmem>>, vector<1x16xf32>,
    %swap3A_775 = vector.shape_cast %swap3A_774 : vector<1x16xf32> to vector<16xf32>
    %swap3A_776 = vector.shape_cast %broadcast_in_dim3A_33 : vector<16xf32> to vector<1x16xf32>
    tpu.vector_store %arg21[%swap3A_772, %swap3A_773], %swap3A_776 {strides = array<i32>} : memref<16x128xf32, #tpu.memory_space<vmem>>, vector<1x16xf32>,
    %swap3A_777 = arith.constant 15 : i32
    %swap3A_778 = arith.index_cast %swap3A_777 : i32 to index
    %swap3A_779 = arith.constant 64 : index
    %swap3A_780 = tpu.vector_load %arg21[%swap3A_778, %swap3A_779] {strides = array<i32>} : memref<16x128xf32, #tpu.memory_space<vmem>>, vector<1x16xf32>,
    %swap3A_781 = vector.shape_cast %swap3A_780 : vector<1x16xf32> to vector<16xf32>
    %swap3A_782 = vector.shape_cast %broadcast_in_dim3A_33 : vector<16xf32> to vector<1x16xf32>
    tpu.vector_store %arg21[%swap3A_778, %swap3A_779], %swap3A_782 {strides = array<i32>} : memref<16x128xf32, #tpu.memory_space<vmem>>, vector<1x16xf32>,
    %swap3A_783 = arith.constant 15 : i32
    %swap3A_784 = arith.index_cast %swap3A_783 : i32 to index
    %swap3A_785 = arith.constant 80 : index
    %swap3A_786 = tpu.vector_load %arg21[%swap3A_784, %swap3A_785] {strides = array<i32>} : memref<16x128xf32, #tpu.memory_space<vmem>>, vector<1x16xf32>,
    %swap3A_787 = vector.shape_cast %swap3A_786 : vector<1x16xf32> to vector<16xf32>
    %swap3A_788 = vector.shape_cast %broadcast_in_dim3A_33 : vector<16xf32> to vector<1x16xf32>
    tpu.vector_store %arg21[%swap3A_784, %swap3A_785], %swap3A_788 {strides = array<i32>} : memref<16x128xf32, #tpu.memory_space<vmem>>, vector<1x16xf32>,
    %swap3A_789 = arith.constant 15 : i32
    %swap3A_790 = arith.index_cast %swap3A_789 : i32 to index
    %swap3A_791 = arith.constant 96 : index
    %swap3A_792 = tpu.vector_load %arg21[%swap3A_790, %swap3A_791] {strides = array<i32>} : memref<16x128xf32, #tpu.memory_space<vmem>>, vector<1x16xf32>,
    %swap3A_793 = vector.shape_cast %swap3A_792 : vector<1x16xf32> to vector<16xf32>
    %swap3A_794 = vector.shape_cast %broadcast_in_dim3A_33 : vector<16xf32> to vector<1x16xf32>
    tpu.vector_store %arg21[%swap3A_790, %swap3A_791], %swap3A_794 {strides = array<i32>} : memref<16x128xf32, #tpu.memory_space<vmem>>, vector<1x16xf32>,
    %swap3A_795 = arith.constant 15 : i32
    %swap3A_796 = arith.index_cast %swap3A_795 : i32 to index
    %swap3A_797 = arith.constant 112 : index
    %swap3A_798 = tpu.vector_load %arg21[%swap3A_796, %swap3A_797] {strides = array<i32>} : memref<16x128xf32, #tpu.memory_space<vmem>>, vector<1x16xf32>,
    %swap3A_799 = vector.shape_cast %swap3A_798 : vector<1x16xf32> to vector<16xf32>
    %swap3A_800 = vector.shape_cast %broadcast_in_dim3A_33 : vector<16xf32> to vector<1x16xf32>
    tpu.vector_store %arg21[%swap3A_796, %swap3A_797], %swap3A_800 {strides = array<i32>} : memref<16x128xf32, #tpu.memory_space<vmem>>, vector<1x16xf32>,
    %while3A = arith.constant 0 : i32
    %while3A_801 = arith.constant 0 : i32
    %while3A_802 = arith.subi %add3A_32, %while3A_801 : i32
    %while3A_803 = arith.addi %while3A_801, %while3A_802 : i32
    %while3A_804 = arith.constant 1 : i32
    %while3A_805 = arith.divsi %while3A_802, %while3A_804 : i32
    %while3A_806 = arith.muli %while3A_805, %while3A_804 : i32
    %while3A_807 = arith.addi %while3A_801, %while3A_806 : i32
    %while3A_808 = arith.constant 1 : i32
    scf.for %while3A_845 = %while3A_801 to %while3A_807 step %while3A_808  : i32 {
      %mul3A_846 = arith.constant 16 : i32
      %mul3A_847 = arith.muli %while3A_845, %mul3A_846 : i32
      %add3A_848 = arith.addi %arg1, %mul3A_847 : i32
      %mul3A_849 = arith.constant 80 : i32
      %mul3A_850 = arith.muli %add3A_848, %mul3A_849 : i32
      %add3A_851 = arith.constant 0 : i32
      %add3A_852 = arith.addi %mul3A_850, %add3A_851 : i32
      "tpu.region"() ({
        %run_scoped3A = tpu.sem_alloc : memref<!tpu.dma_semaphore, #tpu.memory_space<semaphore_mem>>
        %dma_start3A = arith.constant 0 : i32
        %dma_start3A_861 = tpu.memref_slice %arg22[%add3A_852, %dma_start3A] : memref<10000x128xf32, #tpu.memory_space<vmem_shared>> -> memref<16x128xf32, #tpu.memory_space<vmem_shared>>
        %dma_start3A_862 = arith.constant 0 : i32
        %dma_start3A_863 = tpu.memref_slice %arg22[%add3A_852, %dma_start3A_862] : memref<10000x128xf32, #tpu.memory_space<vmem_shared>> -> memref<16x128xf32, #tpu.memory_space<vmem_shared>>
        tpu.enqueue_dma source(%arg21 : memref<16x128xf32, #tpu.memory_space<vmem>>) target(%dma_start3A_863 : memref<16x128xf32, #tpu.memory_space<vmem_shared>>) target_semaphore(%run_scoped3A : memref<!tpu.dma_semaphore, #tpu.memory_space<semaphore_mem>>)
        %dma_wait3A_864 = arith.constant 0 : i32
        %dma_wait3A_865 = tpu.memref_slice %arg22[%add3A_852, %dma_wait3A_864] : memref<10000x128xf32, #tpu.memory_space<vmem_shared>> -> memref<16x128xf32, #tpu.memory_space<vmem_shared>>
        %dma_wait3A_866 = arith.constant 0 : i32
        %dma_wait3A_867 = tpu.memref_slice %arg22[%add3A_852, %dma_wait3A_866] : memref<10000x128xf32, #tpu.memory_space<vmem_shared>> -> memref<16x128xf32, #tpu.memory_space<vmem_shared>>
        tpu.wait_dma2 semaphore(%run_scoped3A : memref<!tpu.dma_semaphore, #tpu.memory_space<semaphore_mem>>) src(%arg21 : memref<16x128xf32, #tpu.memory_space<vmem>>) dst(%dma_wait3A_867 : memref<16x128xf32, #tpu.memory_space<vmem_shared>>)
        tpu.yield
      }) : () -> ()
      %add3A_853 = arith.constant 16 : i32
      %add3A_854 = arith.addi %mul3A_850, %add3A_853 : i32
      "tpu.region"() ({
        %run_scoped3A = tpu.sem_alloc : memref<!tpu.dma_semaphore, #tpu.memory_space<semaphore_mem>>
        %dma_start3A = arith.constant 0 : i32
        %dma_start3A_861 = tpu.memref_slice %arg22[%add3A_854, %dma_start3A] : memref<10000x128xf32, #tpu.memory_space<vmem_shared>> -> memref<16x128xf32, #tpu.memory_space<vmem_shared>>
        %dma_start3A_862 = arith.constant 0 : i32
        %dma_start3A_863 = tpu.memref_slice %arg22[%add3A_854, %dma_start3A_862] : memref<10000x128xf32, #tpu.memory_space<vmem_shared>> -> memref<16x128xf32, #tpu.memory_space<vmem_shared>>
        tpu.enqueue_dma source(%arg21 : memref<16x128xf32, #tpu.memory_space<vmem>>) target(%dma_start3A_863 : memref<16x128xf32, #tpu.memory_space<vmem_shared>>) target_semaphore(%run_scoped3A : memref<!tpu.dma_semaphore, #tpu.memory_space<semaphore_mem>>)
        %dma_wait3A_864 = arith.constant 0 : i32
        %dma_wait3A_865 = tpu.memref_slice %arg22[%add3A_854, %dma_wait3A_864] : memref<10000x128xf32, #tpu.memory_space<vmem_shared>> -> memref<16x128xf32, #tpu.memory_space<vmem_shared>>
        %dma_wait3A_866 = arith.constant 0 : i32
        %dma_wait3A_867 = tpu.memref_slice %arg22[%add3A_854, %dma_wait3A_866] : memref<10000x128xf32, #tpu.memory_space<vmem_shared>> -> memref<16x128xf32, #tpu.memory_space<vmem_shared>>
        tpu.wait_dma2 semaphore(%run_scoped3A : memref<!tpu.dma_semaphore, #tpu.memory_space<semaphore_mem>>) src(%arg21 : memref<16x128xf32, #tpu.memory_space<vmem>>) dst(%dma_wait3A_867 : memref<16x128xf32, #tpu.memory_space<vmem_shared>>)
        tpu.yield
      }) : () -> ()
      %add3A_855 = arith.constant 32 : i32
      %add3A_856 = arith.addi %mul3A_850, %add3A_855 : i32
      "tpu.region"() ({
        %run_scoped3A = tpu.sem_alloc : memref<!tpu.dma_semaphore, #tpu.memory_space<semaphore_mem>>
        %dma_start3A = arith.constant 0 : i32
        %dma_start3A_861 = tpu.memref_slice %arg22[%add3A_856, %dma_start3A] : memref<10000x128xf32, #tpu.memory_space<vmem_shared>> -> memref<16x128xf32, #tpu.memory_space<vmem_shared>>
        %dma_start3A_862 = arith.constant 0 : i32
        %dma_start3A_863 = tpu.memref_slice %arg22[%add3A_856, %dma_start3A_862] : memref<10000x128xf32, #tpu.memory_space<vmem_shared>> -> memref<16x128xf32, #tpu.memory_space<vmem_shared>>
        tpu.enqueue_dma source(%arg21 : memref<16x128xf32, #tpu.memory_space<vmem>>) target(%dma_start3A_863 : memref<16x128xf32, #tpu.memory_space<vmem_shared>>) target_semaphore(%run_scoped3A : memref<!tpu.dma_semaphore, #tpu.memory_space<semaphore_mem>>)
        %dma_wait3A_864 = arith.constant 0 : i32
        %dma_wait3A_865 = tpu.memref_slice %arg22[%add3A_856, %dma_wait3A_864] : memref<10000x128xf32, #tpu.memory_space<vmem_shared>> -> memref<16x128xf32, #tpu.memory_space<vmem_shared>>
        %dma_wait3A_866 = arith.constant 0 : i32
        %dma_wait3A_867 = tpu.memref_slice %arg22[%add3A_856, %dma_wait3A_866] : memref<10000x128xf32, #tpu.memory_space<vmem_shared>> -> memref<16x128xf32, #tpu.memory_space<vmem_shared>>
        tpu.wait_dma2 semaphore(%run_scoped3A : memref<!tpu.dma_semaphore, #tpu.memory_space<semaphore_mem>>) src(%arg21 : memref<16x128xf32, #tpu.memory_space<vmem>>) dst(%dma_wait3A_867 : memref<16x128xf32, #tpu.memory_space<vmem_shared>>)
        tpu.yield
      }) : () -> ()
      %add3A_857 = arith.constant 48 : i32
      %add3A_858 = arith.addi %mul3A_850, %add3A_857 : i32
      "tpu.region"() ({
        %run_scoped3A = tpu.sem_alloc : memref<!tpu.dma_semaphore, #tpu.memory_space<semaphore_mem>>
        %dma_start3A = arith.constant 0 : i32
        %dma_start3A_861 = tpu.memref_slice %arg22[%add3A_858, %dma_start3A] : memref<10000x128xf32, #tpu.memory_space<vmem_shared>> -> memref<16x128xf32, #tpu.memory_space<vmem_shared>>
        %dma_start3A_862 = arith.constant 0 : i32
        %dma_start3A_863 = tpu.memref_slice %arg22[%add3A_858, %dma_start3A_862] : memref<10000x128xf32, #tpu.memory_space<vmem_shared>> -> memref<16x128xf32, #tpu.memory_space<vmem_shared>>
        tpu.enqueue_dma source(%arg21 : memref<16x128xf32, #tpu.memory_space<vmem>>) target(%dma_start3A_863 : memref<16x128xf32, #tpu.memory_space<vmem_shared>>) target_semaphore(%run_scoped3A : memref<!tpu.dma_semaphore, #tpu.memory_space<semaphore_mem>>)
        %dma_wait3A_864 = arith.constant 0 : i32
        %dma_wait3A_865 = tpu.memref_slice %arg22[%add3A_858, %dma_wait3A_864] : memref<10000x128xf32, #tpu.memory_space<vmem_shared>> -> memref<16x128xf32, #tpu.memory_space<vmem_shared>>
        %dma_wait3A_866 = arith.constant 0 : i32
        %dma_wait3A_867 = tpu.memref_slice %arg22[%add3A_858, %dma_wait3A_866] : memref<10000x128xf32, #tpu.memory_space<vmem_shared>> -> memref<16x128xf32, #tpu.memory_space<vmem_shared>>
        tpu.wait_dma2 semaphore(%run_scoped3A : memref<!tpu.dma_semaphore, #tpu.memory_space<semaphore_mem>>) src(%arg21 : memref<16x128xf32, #tpu.memory_space<vmem>>) dst(%dma_wait3A_867 : memref<16x128xf32, #tpu.memory_space<vmem_shared>>)
        tpu.yield
      }) : () -> ()
      %add3A_859 = arith.constant 64 : i32
      %add3A_860 = arith.addi %mul3A_850, %add3A_859 : i32
      "tpu.region"() ({
        %run_scoped3A = tpu.sem_alloc : memref<!tpu.dma_semaphore, #tpu.memory_space<semaphore_mem>>
        %dma_start3A = arith.constant 0 : i32
        %dma_start3A_861 = tpu.memref_slice %arg22[%add3A_860, %dma_start3A] : memref<10000x128xf32, #tpu.memory_space<vmem_shared>> -> memref<16x128xf32, #tpu.memory_space<vmem_shared>>
        %dma_start3A_862 = arith.constant 0 : i32
        %dma_start3A_863 = tpu.memref_slice %arg22[%add3A_860, %dma_start3A_862] : memref<10000x128xf32, #tpu.memory_space<vmem_shared>> -> memref<16x128xf32, #tpu.memory_space<vmem_shared>>
        tpu.enqueue_dma source(%arg21 : memref<16x128xf32, #tpu.memory_space<vmem>>) target(%dma_start3A_863 : memref<16x128xf32, #tpu.memory_space<vmem_shared>>) target_semaphore(%run_scoped3A : memref<!tpu.dma_semaphore, #tpu.memory_space<semaphore_mem>>)
        %dma_wait3A_864 = arith.constant 0 : i32
        %dma_wait3A_865 = tpu.memref_slice %arg22[%add3A_860, %dma_wait3A_864] : memref<10000x128xf32, #tpu.memory_space<vmem_shared>> -> memref<16x128xf32, #tpu.memory_space<vmem_shared>>
        %dma_wait3A_866 = arith.constant 0 : i32
        %dma_wait3A_867 = tpu.memref_slice %arg22[%add3A_860, %dma_wait3A_866] : memref<10000x128xf32, #tpu.memory_space<vmem_shared>> -> memref<16x128xf32, #tpu.memory_space<vmem_shared>>
        tpu.wait_dma2 semaphore(%run_scoped3A : memref<!tpu.dma_semaphore, #tpu.memory_space<semaphore_mem>>) src(%arg21 : memref<16x128xf32, #tpu.memory_space<vmem>>) dst(%dma_wait3A_867 : memref<16x128xf32, #tpu.memory_space<vmem_shared>>)
        tpu.yield
      }) : () -> ()
    }
    %while3A_809 = arith.constant 1 : i32
    scf.for %while3A_845 = %while3A_807 to %while3A_803 step %while3A_809  : i32 {
      %mul3A_846 = arith.constant 16 : i32
      %mul3A_847 = arith.muli %while3A_845, %mul3A_846 : i32
      %add3A_848 = arith.addi %arg1, %mul3A_847 : i32
      %mul3A_849 = arith.constant 80 : i32
      %mul3A_850 = arith.muli %add3A_848, %mul3A_849 : i32
      %add3A_851 = arith.constant 0 : i32
      %add3A_852 = arith.addi %mul3A_850, %add3A_851 : i32
      "tpu.region"() ({
        %run_scoped3A = tpu.sem_alloc : memref<!tpu.dma_semaphore, #tpu.memory_space<semaphore_mem>>
        %dma_start3A = arith.constant 0 : i32
        %dma_start3A_861 = tpu.memref_slice %arg22[%add3A_852, %dma_start3A] : memref<10000x128xf32, #tpu.memory_space<vmem_shared>> -> memref<16x128xf32, #tpu.memory_space<vmem_shared>>
        %dma_start3A_862 = arith.constant 0 : i32
        %dma_start3A_863 = tpu.memref_slice %arg22[%add3A_852, %dma_start3A_862] : memref<10000x128xf32, #tpu.memory_space<vmem_shared>> -> memref<16x128xf32, #tpu.memory_space<vmem_shared>>
        tpu.enqueue_dma source(%arg21 : memref<16x128xf32, #tpu.memory_space<vmem>>) target(%dma_start3A_863 : memref<16x128xf32, #tpu.memory_space<vmem_shared>>) target_semaphore(%run_scoped3A : memref<!tpu.dma_semaphore, #tpu.memory_space<semaphore_mem>>)
        %dma_wait3A_864 = arith.constant 0 : i32
        %dma_wait3A_865 = tpu.memref_slice %arg22[%add3A_852, %dma_wait3A_864] : memref<10000x128xf32, #tpu.memory_space<vmem_shared>> -> memref<16x128xf32, #tpu.memory_space<vmem_shared>>
        %dma_wait3A_866 = arith.constant 0 : i32
        %dma_wait3A_867 = tpu.memref_slice %arg22[%add3A_852, %dma_wait3A_866] : memref<10000x128xf32, #tpu.memory_space<vmem_shared>> -> memref<16x128xf32, #tpu.memory_space<vmem_shared>>
        tpu.wait_dma2 semaphore(%run_scoped3A : memref<!tpu.dma_semaphore, #tpu.memory_space<semaphore_mem>>) src(%arg21 : memref<16x128xf32, #tpu.memory_space<vmem>>) dst(%dma_wait3A_867 : memref<16x128xf32, #tpu.memory_space<vmem_shared>>)
        tpu.yield
      }) : () -> ()
      %add3A_853 = arith.constant 16 : i32
      %add3A_854 = arith.addi %mul3A_850, %add3A_853 : i32
      "tpu.region"() ({
        %run_scoped3A = tpu.sem_alloc : memref<!tpu.dma_semaphore, #tpu.memory_space<semaphore_mem>>
        %dma_start3A = arith.constant 0 : i32
        %dma_start3A_861 = tpu.memref_slice %arg22[%add3A_854, %dma_start3A] : memref<10000x128xf32, #tpu.memory_space<vmem_shared>> -> memref<16x128xf32, #tpu.memory_space<vmem_shared>>
        %dma_start3A_862 = arith.constant 0 : i32
        %dma_start3A_863 = tpu.memref_slice %arg22[%add3A_854, %dma_start3A_862] : memref<10000x128xf32, #tpu.memory_space<vmem_shared>> -> memref<16x128xf32, #tpu.memory_space<vmem_shared>>
        tpu.enqueue_dma source(%arg21 : memref<16x128xf32, #tpu.memory_space<vmem>>) target(%dma_start3A_863 : memref<16x128xf32, #tpu.memory_space<vmem_shared>>) target_semaphore(%run_scoped3A : memref<!tpu.dma_semaphore, #tpu.memory_space<semaphore_mem>>)
        %dma_wait3A_864 = arith.constant 0 : i32
        %dma_wait3A_865 = tpu.memref_slice %arg22[%add3A_854, %dma_wait3A_864] : memref<10000x128xf32, #tpu.memory_space<vmem_shared>> -> memref<16x128xf32, #tpu.memory_space<vmem_shared>>
        %dma_wait3A_866 = arith.constant 0 : i32
        %dma_wait3A_867 = tpu.memref_slice %arg22[%add3A_854, %dma_wait3A_866] : memref<10000x128xf32, #tpu.memory_space<vmem_shared>> -> memref<16x128xf32, #tpu.memory_space<vmem_shared>>
        tpu.wait_dma2 semaphore(%run_scoped3A : memref<!tpu.dma_semaphore, #tpu.memory_space<semaphore_mem>>) src(%arg21 : memref<16x128xf32, #tpu.memory_space<vmem>>) dst(%dma_wait3A_867 : memref<16x128xf32, #tpu.memory_space<vmem_shared>>)
        tpu.yield
      }) : () -> ()
      %add3A_855 = arith.constant 32 : i32
      %add3A_856 = arith.addi %mul3A_850, %add3A_855 : i32
      "tpu.region"() ({
        %run_scoped3A = tpu.sem_alloc : memref<!tpu.dma_semaphore, #tpu.memory_space<semaphore_mem>>
        %dma_start3A = arith.constant 0 : i32
        %dma_start3A_861 = tpu.memref_slice %arg22[%add3A_856, %dma_start3A] : memref<10000x128xf32, #tpu.memory_space<vmem_shared>> -> memref<16x128xf32, #tpu.memory_space<vmem_shared>>
        %dma_start3A_862 = arith.constant 0 : i32
        %dma_start3A_863 = tpu.memref_slice %arg22[%add3A_856, %dma_start3A_862] : memref<10000x128xf32, #tpu.memory_space<vmem_shared>> -> memref<16x128xf32, #tpu.memory_space<vmem_shared>>
        tpu.enqueue_dma source(%arg21 : memref<16x128xf32, #tpu.memory_space<vmem>>) target(%dma_start3A_863 : memref<16x128xf32, #tpu.memory_space<vmem_shared>>) target_semaphore(%run_scoped3A : memref<!tpu.dma_semaphore, #tpu.memory_space<semaphore_mem>>)
        %dma_wait3A_864 = arith.constant 0 : i32
        %dma_wait3A_865 = tpu.memref_slice %arg22[%add3A_856, %dma_wait3A_864] : memref<10000x128xf32, #tpu.memory_space<vmem_shared>> -> memref<16x128xf32, #tpu.memory_space<vmem_shared>>
        %dma_wait3A_866 = arith.constant 0 : i32
        %dma_wait3A_867 = tpu.memref_slice %arg22[%add3A_856, %dma_wait3A_866] : memref<10000x128xf32, #tpu.memory_space<vmem_shared>> -> memref<16x128xf32, #tpu.memory_space<vmem_shared>>
        tpu.wait_dma2 semaphore(%run_scoped3A : memref<!tpu.dma_semaphore, #tpu.memory_space<semaphore_mem>>) src(%arg21 : memref<16x128xf32, #tpu.memory_space<vmem>>) dst(%dma_wait3A_867 : memref<16x128xf32, #tpu.memory_space<vmem_shared>>)
        tpu.yield
      }) : () -> ()
      %add3A_857 = arith.constant 48 : i32
      %add3A_858 = arith.addi %mul3A_850, %add3A_857 : i32
      "tpu.region"() ({
        %run_scoped3A = tpu.sem_alloc : memref<!tpu.dma_semaphore, #tpu.memory_space<semaphore_mem>>
        %dma_start3A = arith.constant 0 : i32
        %dma_start3A_861 = tpu.memref_slice %arg22[%add3A_858, %dma_start3A] : memref<10000x128xf32, #tpu.memory_space<vmem_shared>> -> memref<16x128xf32, #tpu.memory_space<vmem_shared>>
        %dma_start3A_862 = arith.constant 0 : i32
        %dma_start3A_863 = tpu.memref_slice %arg22[%add3A_858, %dma_start3A_862] : memref<10000x128xf32, #tpu.memory_space<vmem_shared>> -> memref<16x128xf32, #tpu.memory_space<vmem_shared>>
        tpu.enqueue_dma source(%arg21 : memref<16x128xf32, #tpu.memory_space<vmem>>) target(%dma_start3A_863 : memref<16x128xf32, #tpu.memory_space<vmem_shared>>) target_semaphore(%run_scoped3A : memref<!tpu.dma_semaphore, #tpu.memory_space<semaphore_mem>>)
        %dma_wait3A_864 = arith.constant 0 : i32
        %dma_wait3A_865 = tpu.memref_slice %arg22[%add3A_858, %dma_wait3A_864] : memref<10000x128xf32, #tpu.memory_space<vmem_shared>> -> memref<16x128xf32, #tpu.memory_space<vmem_shared>>
        %dma_wait3A_866 = arith.constant 0 : i32
        %dma_wait3A_867 = tpu.memref_slice %arg22[%add3A_858, %dma_wait3A_866] : memref<10000x128xf32, #tpu.memory_space<vmem_shared>> -> memref<16x128xf32, #tpu.memory_space<vmem_shared>>
        tpu.wait_dma2 semaphore(%run_scoped3A : memref<!tpu.dma_semaphore, #tpu.memory_space<semaphore_mem>>) src(%arg21 : memref<16x128xf32, #tpu.memory_space<vmem>>) dst(%dma_wait3A_867 : memref<16x128xf32, #tpu.memory_space<vmem_shared>>)
        tpu.yield
      }) : () -> ()
      %add3A_859 = arith.constant 64 : i32
      %add3A_860 = arith.addi %mul3A_850, %add3A_859 : i32
      "tpu.region"() ({
        %run_scoped3A = tpu.sem_alloc : memref<!tpu.dma_semaphore, #tpu.memory_space<semaphore_mem>>
        %dma_start3A = arith.constant 0 : i32
        %dma_start3A_861 = tpu.memref_slice %arg22[%add3A_860, %dma_start3A] : memref<10000x128xf32, #tpu.memory_space<vmem_shared>> -> memref<16x128xf32, #tpu.memory_space<vmem_shared>>
        %dma_start3A_862 = arith.constant 0 : i32
        %dma_start3A_863 = tpu.memref_slice %arg22[%add3A_860, %dma_start3A_862] : memref<10000x128xf32, #tpu.memory_space<vmem_shared>> -> memref<16x128xf32, #tpu.memory_space<vmem_shared>>
        tpu.enqueue_dma source(%arg21 : memref<16x128xf32, #tpu.memory_space<vmem>>) target(%dma_start3A_863 : memref<16x128xf32, #tpu.memory_space<vmem_shared>>) target_semaphore(%run_scoped3A : memref<!tpu.dma_semaphore, #tpu.memory_space<semaphore_mem>>)
        %dma_wait3A_864 = arith.constant 0 : i32
        %dma_wait3A_865 = tpu.memref_slice %arg22[%add3A_860, %dma_wait3A_864] : memref<10000x128xf32, #tpu.memory_space<vmem_shared>> -> memref<16x128xf32, #tpu.memory_space<vmem_shared>>
        %dma_wait3A_866 = arith.constant 0 : i32
        %dma_wait3A_867 = tpu.memref_slice %arg22[%add3A_860, %dma_wait3A_866] : memref<10000x128xf32, #tpu.memory_space<vmem_shared>> -> memref<16x128xf32, #tpu.memory_space<vmem_shared>>
        tpu.wait_dma2 semaphore(%run_scoped3A : memref<!tpu.dma_semaphore, #tpu.memory_space<semaphore_mem>>) src(%arg21 : memref<16x128xf32, #tpu.memory_space<vmem>>) dst(%dma_wait3A_867 : memref<16x128xf32, #tpu.memory_space<vmem_shared>>)
        tpu.yield
      }) : () -> ()
    }
    %barrier3A = arith.constant 0 : index
    tpu.barrier barrier_id(%barrier3A)
    %while3A_810 = arith.constant 0 : i32
    %while3A_811 = arith.constant 0 : i32
    %while3A_812 = arith.subi %select_n3A_10, %while3A_811 : i32
    %while3A_813 = arith.addi %while3A_811, %while3A_812 : i32
    %while3A_814 = arith.constant 1 : i32
    %while3A_815 = arith.divsi %while3A_812, %while3A_814 : i32
    %while3A_816 = arith.muli %while3A_815, %while3A_814 : i32
    %while3A_817 = arith.addi %while3A_811, %while3A_816 : i32
    %while3A_818 = arith.constant 1 : i32
    scf.for %while3A_845 = %while3A_811 to %while3A_817 step %while3A_818  : i32 {
      %gt3A = arith.constant 0 : i32
      %gt3A_846 = arith.cmpi sgt, %while3A_845, %gt3A : i32
      %convert_element_type3A = arith.extui %gt3A_846 : i1 to i32
      %cond3A = arith.constant 0 : i32
      %cond3A_847 = arith.cmpi ne, %convert_element_type3A, %cond3A : i32
      scf.if %cond3A_847 {
        %dma_wait3A_945 = arith.constant 0 : i32
        %dma_wait3A_946 = arith.constant 0 : i32
        %dma_wait3A_947 = tpu.memref_slice %arg22[%dma_wait3A_945, %dma_wait3A_946] : memref<10000x128xf32, #tpu.memory_space<vmem_shared>> -> memref<10000x128xf32, #tpu.memory_space<vmem_shared>>
        tpu.wait_indirect_dma semaphore(%arg38 : memref<!tpu.dma_semaphore, #tpu.memory_space<semaphore_mem>>) src(%arg16 : memref<64x128xf32, #tpu.memory_space<vmem>>) dst(%dma_wait3A_947 : memref<10000x128xf32, #tpu.memory_space<vmem_shared>>)
        %dma_wait3A_948 = arith.constant 0 : i32
        %dma_wait3A_949 = arith.constant 0 : i32
        %dma_wait3A_950 = tpu.memref_slice %arg22[%dma_wait3A_948, %dma_wait3A_949] : memref<10000x128xf32, #tpu.memory_space<vmem_shared>> -> memref<10000x128xf32, #tpu.memory_space<vmem_shared>>
        tpu.wait_indirect_dma semaphore(%arg39 : memref<!tpu.dma_semaphore, #tpu.memory_space<semaphore_mem>>) src(%arg17 : memref<64x128xf32, #tpu.memory_space<vmem>>) dst(%dma_wait3A_950 : memref<10000x128xf32, #tpu.memory_space<vmem_shared>>)
        %dma_wait3A_951 = arith.constant 0 : i32
        %dma_wait3A_952 = arith.constant 0 : i32
        %dma_wait3A_953 = tpu.memref_slice %arg22[%dma_wait3A_951, %dma_wait3A_952] : memref<10000x128xf32, #tpu.memory_space<vmem_shared>> -> memref<10000x128xf32, #tpu.memory_space<vmem_shared>>
        tpu.wait_indirect_dma semaphore(%arg40 : memref<!tpu.dma_semaphore, #tpu.memory_space<semaphore_mem>>) src(%arg18 : memref<64x128xf32, #tpu.memory_space<vmem>>) dst(%dma_wait3A_953 : memref<10000x128xf32, #tpu.memory_space<vmem_shared>>)
        %dma_wait3A_954 = arith.constant 0 : i32
        %dma_wait3A_955 = arith.constant 0 : i32
        %dma_wait3A_956 = tpu.memref_slice %arg22[%dma_wait3A_954, %dma_wait3A_955] : memref<10000x128xf32, #tpu.memory_space<vmem_shared>> -> memref<10000x128xf32, #tpu.memory_space<vmem_shared>>
        tpu.wait_indirect_dma semaphore(%arg41 : memref<!tpu.dma_semaphore, #tpu.memory_space<semaphore_mem>>) src(%arg19 : memref<64x128xf32, #tpu.memory_space<vmem>>) dst(%dma_wait3A_956 : memref<10000x128xf32, #tpu.memory_space<vmem_shared>>)
        %dma_wait3A_957 = arith.constant 0 : i32
        %dma_wait3A_958 = arith.constant 0 : i32
        %dma_wait3A_959 = tpu.memref_slice %arg22[%dma_wait3A_957, %dma_wait3A_958] : memref<10000x128xf32, #tpu.memory_space<vmem_shared>> -> memref<10000x128xf32, #tpu.memory_space<vmem_shared>>
        tpu.wait_indirect_dma semaphore(%arg42 : memref<!tpu.dma_semaphore, #tpu.memory_space<semaphore_mem>>) src(%arg20 : memref<64x128xf32, #tpu.memory_space<vmem>>) dst(%dma_wait3A_959 : memref<10000x128xf32, #tpu.memory_space<vmem_shared>>)
      } else {
      }
      %mul3A_848 = arith.constant 320 : i32
      %mul3A_849 = arith.muli %while3A_845, %mul3A_848 : i32
      %add3A_850 = arith.addi %mul3A_6, %mul3A_849 : i32
      %add3A_851 = arith.constant 0 : i32
      %add3A_852 = arith.addi %add3A_850, %add3A_851 : i32
      %dma_start3A = tpu.memref_slice %arg3[%add3A_852] : memref<640000xi32, #tpu.memory_space<hbm>> -> memref<64xi32, #tpu.memory_space<hbm>>
      %dma_start3A_853 = tpu.memref_slice %arg3[%add3A_852] : memref<640000xi32, #tpu.memory_space<hbm>> -> memref<64xi32, #tpu.memory_space<hbm>>
      tpu.enqueue_dma source(%dma_start3A_853 : memref<64xi32, #tpu.memory_space<hbm>>) target(%arg6 : memref<64xi32, #tpu.memory_space<vmem>>) target_semaphore(%arg23 : memref<!tpu.dma_semaphore, #tpu.memory_space<semaphore_mem>>)
      %dma_start3A_854 = tpu.memref_slice %arg4[%add3A_852] : memref<640000xi32, #tpu.memory_space<hbm>> -> memref<64xi32, #tpu.memory_space<hbm>>
      %dma_start3A_855 = tpu.memref_slice %arg4[%add3A_852] : memref<640000xi32, #tpu.memory_space<hbm>> -> memref<64xi32, #tpu.memory_space<hbm>>
      tpu.enqueue_dma source(%dma_start3A_855 : memref<64xi32, #tpu.memory_space<hbm>>) target(%arg11 : memref<64xi32, #tpu.memory_space<vmem>>) target_semaphore(%arg28 : memref<!tpu.dma_semaphore, #tpu.memory_space<semaphore_mem>>)
      %add3A_856 = arith.constant 64 : i32
      %add3A_857 = arith.addi %add3A_850, %add3A_856 : i32
      %dma_start3A_858 = tpu.memref_slice %arg3[%add3A_857] : memref<640000xi32, #tpu.memory_space<hbm>> -> memref<64xi32, #tpu.memory_space<hbm>>
      %dma_start3A_859 = tpu.memref_slice %arg3[%add3A_857] : memref<640000xi32, #tpu.memory_space<hbm>> -> memref<64xi32, #tpu.memory_space<hbm>>
      tpu.enqueue_dma source(%dma_start3A_859 : memref<64xi32, #tpu.memory_space<hbm>>) target(%arg7 : memref<64xi32, #tpu.memory_space<vmem>>) target_semaphore(%arg24 : memref<!tpu.dma_semaphore, #tpu.memory_space<semaphore_mem>>)
      %dma_start3A_860 = tpu.memref_slice %arg4[%add3A_857] : memref<640000xi32, #tpu.memory_space<hbm>> -> memref<64xi32, #tpu.memory_space<hbm>>
      %dma_start3A_861 = tpu.memref_slice %arg4[%add3A_857] : memref<640000xi32, #tpu.memory_space<hbm>> -> memref<64xi32, #tpu.memory_space<hbm>>
      tpu.enqueue_dma source(%dma_start3A_861 : memref<64xi32, #tpu.memory_space<hbm>>) target(%arg12 : memref<64xi32, #tpu.memory_space<vmem>>) target_semaphore(%arg29 : memref<!tpu.dma_semaphore, #tpu.memory_space<semaphore_mem>>)
      %add3A_862 = arith.constant 128 : i32
      %add3A_863 = arith.addi %add3A_850, %add3A_862 : i32
      %dma_start3A_864 = tpu.memref_slice %arg3[%add3A_863] : memref<640000xi32, #tpu.memory_space<hbm>> -> memref<64xi32, #tpu.memory_space<hbm>>
      %dma_start3A_865 = tpu.memref_slice %arg3[%add3A_863] : memref<640000xi32, #tpu.memory_space<hbm>> -> memref<64xi32, #tpu.memory_space<hbm>>
      tpu.enqueue_dma source(%dma_start3A_865 : memref<64xi32, #tpu.memory_space<hbm>>) target(%arg8 : memref<64xi32, #tpu.memory_space<vmem>>) target_semaphore(%arg25 : memref<!tpu.dma_semaphore, #tpu.memory_space<semaphore_mem>>)
      %dma_start3A_866 = tpu.memref_slice %arg4[%add3A_863] : memref<640000xi32, #tpu.memory_space<hbm>> -> memref<64xi32, #tpu.memory_space<hbm>>
      %dma_start3A_867 = tpu.memref_slice %arg4[%add3A_863] : memref<640000xi32, #tpu.memory_space<hbm>> -> memref<64xi32, #tpu.memory_space<hbm>>
      tpu.enqueue_dma source(%dma_start3A_867 : memref<64xi32, #tpu.memory_space<hbm>>) target(%arg13 : memref<64xi32, #tpu.memory_space<vmem>>) target_semaphore(%arg30 : memref<!tpu.dma_semaphore, #tpu.memory_space<semaphore_mem>>)
      %add3A_868 = arith.constant 192 : i32
      %add3A_869 = arith.addi %add3A_850, %add3A_868 : i32
      %dma_start3A_870 = tpu.memref_slice %arg3[%add3A_869] : memref<640000xi32, #tpu.memory_space<hbm>> -> memref<64xi32, #tpu.memory_space<hbm>>
      %dma_start3A_871 = tpu.memref_slice %arg3[%add3A_869] : memref<640000xi32, #tpu.memory_space<hbm>> -> memref<64xi32, #tpu.memory_space<hbm>>
      tpu.enqueue_dma source(%dma_start3A_871 : memref<64xi32, #tpu.memory_space<hbm>>) target(%arg9 : memref<64xi32, #tpu.memory_space<vmem>>) target_semaphore(%arg26 : memref<!tpu.dma_semaphore, #tpu.memory_space<semaphore_mem>>)
      %dma_start3A_872 = tpu.memref_slice %arg4[%add3A_869] : memref<640000xi32, #tpu.memory_space<hbm>> -> memref<64xi32, #tpu.memory_space<hbm>>
      %dma_start3A_873 = tpu.memref_slice %arg4[%add3A_869] : memref<640000xi32, #tpu.memory_space<hbm>> -> memref<64xi32, #tpu.memory_space<hbm>>
      tpu.enqueue_dma source(%dma_start3A_873 : memref<64xi32, #tpu.memory_space<hbm>>) target(%arg14 : memref<64xi32, #tpu.memory_space<vmem>>) target_semaphore(%arg31 : memref<!tpu.dma_semaphore, #tpu.memory_space<semaphore_mem>>)
      %add3A_874 = arith.constant 256 : i32
      %add3A_875 = arith.addi %add3A_850, %add3A_874 : i32
      %dma_start3A_876 = tpu.memref_slice %arg3[%add3A_875] : memref<640000xi32, #tpu.memory_space<hbm>> -> memref<64xi32, #tpu.memory_space<hbm>>
      %dma_start3A_877 = tpu.memref_slice %arg3[%add3A_875] : memref<640000xi32, #tpu.memory_space<hbm>> -> memref<64xi32, #tpu.memory_space<hbm>>
      tpu.enqueue_dma source(%dma_start3A_877 : memref<64xi32, #tpu.memory_space<hbm>>) target(%arg10 : memref<64xi32, #tpu.memory_space<vmem>>) target_semaphore(%arg27 : memref<!tpu.dma_semaphore, #tpu.memory_space<semaphore_mem>>)
      %dma_start3A_878 = tpu.memref_slice %arg4[%add3A_875] : memref<640000xi32, #tpu.memory_space<hbm>> -> memref<64xi32, #tpu.memory_space<hbm>>
      %dma_start3A_879 = tpu.memref_slice %arg4[%add3A_875] : memref<640000xi32, #tpu.memory_space<hbm>> -> memref<64xi32, #tpu.memory_space<hbm>>
      tpu.enqueue_dma source(%dma_start3A_879 : memref<64xi32, #tpu.memory_space<hbm>>) target(%arg15 : memref<64xi32, #tpu.memory_space<vmem>>) target_semaphore(%arg32 : memref<!tpu.dma_semaphore, #tpu.memory_space<semaphore_mem>>)
      %dma_wait3A_880 = tpu.memref_slice %arg3[%add3A_852] : memref<640000xi32, #tpu.memory_space<hbm>> -> memref<64xi32, #tpu.memory_space<hbm>>
      %dma_wait3A_881 = tpu.memref_slice %arg3[%add3A_852] : memref<640000xi32, #tpu.memory_space<hbm>> -> memref<64xi32, #tpu.memory_space<hbm>>
      tpu.wait_dma2 semaphore(%arg23 : memref<!tpu.dma_semaphore, #tpu.memory_space<semaphore_mem>>) src(%dma_wait3A_881 : memref<64xi32, #tpu.memory_space<hbm>>) dst(%arg6 : memref<64xi32, #tpu.memory_space<vmem>>)
      %dma_start3A_882 = arith.constant 0 : i32
      %dma_start3A_883 = arith.constant 0 : i32
      %dma_start3A_884 = tpu.memref_slice %arg2[%dma_start3A_882, %dma_start3A_883] : memref<10008x128xf32, #tpu.memory_space<hbm>> -> memref<10008x128xf32, #tpu.memory_space<hbm>>
      tpu.enqueue_indirect_dma source(%dma_start3A_884 : memref<10008x128xf32, #tpu.memory_space<hbm>>) target(%arg16 : memref<64x128xf32, #tpu.memory_space<vmem>>) offsets(%arg6 : memref<64xi32, #tpu.memory_space<vmem>>) semaphore(%arg33 : memref<!tpu.dma_semaphore, #tpu.memory_space<semaphore_mem>>)
      %dma_wait3A_885 = tpu.memref_slice %arg3[%add3A_857] : memref<640000xi32, #tpu.memory_space<hbm>> -> memref<64xi32, #tpu.memory_space<hbm>>
      %dma_wait3A_886 = tpu.memref_slice %arg3[%add3A_857] : memref<640000xi32, #tpu.memory_space<hbm>> -> memref<64xi32, #tpu.memory_space<hbm>>
      tpu.wait_dma2 semaphore(%arg24 : memref<!tpu.dma_semaphore, #tpu.memory_space<semaphore_mem>>) src(%dma_wait3A_886 : memref<64xi32, #tpu.memory_space<hbm>>) dst(%arg7 : memref<64xi32, #tpu.memory_space<vmem>>)
      %dma_start3A_887 = arith.constant 0 : i32
      %dma_start3A_888 = arith.constant 0 : i32
      %dma_start3A_889 = tpu.memref_slice %arg2[%dma_start3A_887, %dma_start3A_888] : memref<10008x128xf32, #tpu.memory_space<hbm>> -> memref<10008x128xf32, #tpu.memory_space<hbm>>
      tpu.enqueue_indirect_dma source(%dma_start3A_889 : memref<10008x128xf32, #tpu.memory_space<hbm>>) target(%arg17 : memref<64x128xf32, #tpu.memory_space<vmem>>) offsets(%arg7 : memref<64xi32, #tpu.memory_space<vmem>>) semaphore(%arg34 : memref<!tpu.dma_semaphore, #tpu.memory_space<semaphore_mem>>)
      %dma_wait3A_890 = tpu.memref_slice %arg3[%add3A_863] : memref<640000xi32, #tpu.memory_space<hbm>> -> memref<64xi32, #tpu.memory_space<hbm>>
      %dma_wait3A_891 = tpu.memref_slice %arg3[%add3A_863] : memref<640000xi32, #tpu.memory_space<hbm>> -> memref<64xi32, #tpu.memory_space<hbm>>
      tpu.wait_dma2 semaphore(%arg25 : memref<!tpu.dma_semaphore, #tpu.memory_space<semaphore_mem>>) src(%dma_wait3A_891 : memref<64xi32, #tpu.memory_space<hbm>>) dst(%arg8 : memref<64xi32, #tpu.memory_space<vmem>>)
      %dma_start3A_892 = arith.constant 0 : i32
      %dma_start3A_893 = arith.constant 0 : i32
      %dma_start3A_894 = tpu.memref_slice %arg2[%dma_start3A_892, %dma_start3A_893] : memref<10008x128xf32, #tpu.memory_space<hbm>> -> memref<10008x128xf32, #tpu.memory_space<hbm>>
      tpu.enqueue_indirect_dma source(%dma_start3A_894 : memref<10008x128xf32, #tpu.memory_space<hbm>>) target(%arg18 : memref<64x128xf32, #tpu.memory_space<vmem>>) offsets(%arg8 : memref<64xi32, #tpu.memory_space<vmem>>) semaphore(%arg35 : memref<!tpu.dma_semaphore, #tpu.memory_space<semaphore_mem>>)
      %dma_wait3A_895 = tpu.memref_slice %arg3[%add3A_869] : memref<640000xi32, #tpu.memory_space<hbm>> -> memref<64xi32, #tpu.memory_space<hbm>>
      %dma_wait3A_896 = tpu.memref_slice %arg3[%add3A_869] : memref<640000xi32, #tpu.memory_space<hbm>> -> memref<64xi32, #tpu.memory_space<hbm>>
      tpu.wait_dma2 semaphore(%arg26 : memref<!tpu.dma_semaphore, #tpu.memory_space<semaphore_mem>>) src(%dma_wait3A_896 : memref<64xi32, #tpu.memory_space<hbm>>) dst(%arg9 : memref<64xi32, #tpu.memory_space<vmem>>)
      %dma_start3A_897 = arith.constant 0 : i32
      %dma_start3A_898 = arith.constant 0 : i32
      %dma_start3A_899 = tpu.memref_slice %arg2[%dma_start3A_897, %dma_start3A_898] : memref<10008x128xf32, #tpu.memory_space<hbm>> -> memref<10008x128xf32, #tpu.memory_space<hbm>>
      tpu.enqueue_indirect_dma source(%dma_start3A_899 : memref<10008x128xf32, #tpu.memory_space<hbm>>) target(%arg19 : memref<64x128xf32, #tpu.memory_space<vmem>>) offsets(%arg9 : memref<64xi32, #tpu.memory_space<vmem>>) semaphore(%arg36 : memref<!tpu.dma_semaphore, #tpu.memory_space<semaphore_mem>>)
      %dma_wait3A_900 = tpu.memref_slice %arg3[%add3A_875] : memref<640000xi32, #tpu.memory_space<hbm>> -> memref<64xi32, #tpu.memory_space<hbm>>
      %dma_wait3A_901 = tpu.memref_slice %arg3[%add3A_875] : memref<640000xi32, #tpu.memory_space<hbm>> -> memref<64xi32, #tpu.memory_space<hbm>>
      tpu.wait_dma2 semaphore(%arg27 : memref<!tpu.dma_semaphore, #tpu.memory_space<semaphore_mem>>) src(%dma_wait3A_901 : memref<64xi32, #tpu.memory_space<hbm>>) dst(%arg10 : memref<64xi32, #tpu.memory_space<vmem>>)
      %dma_start3A_902 = arith.constant 0 : i32
      %dma_start3A_903 = arith.constant 0 : i32
      %dma_start3A_904 = tpu.memref_slice %arg2[%dma_start3A_902, %dma_start3A_903] : memref<10008x128xf32, #tpu.memory_space<hbm>> -> memref<10008x128xf32, #tpu.memory_space<hbm>>
      tpu.enqueue_indirect_dma source(%dma_start3A_904 : memref<10008x128xf32, #tpu.memory_space<hbm>>) target(%arg20 : memref<64x128xf32, #tpu.memory_space<vmem>>) offsets(%arg10 : memref<64xi32, #tpu.memory_space<vmem>>) semaphore(%arg37 : memref<!tpu.dma_semaphore, #tpu.memory_space<semaphore_mem>>)
      %dma_wait3A_905 = arith.constant 0 : i32
      %dma_wait3A_906 = arith.constant 0 : i32
      %dma_wait3A_907 = tpu.memref_slice %arg2[%dma_wait3A_905, %dma_wait3A_906] : memref<10008x128xf32, #tpu.memory_space<hbm>> -> memref<10008x128xf32, #tpu.memory_space<hbm>>
      tpu.wait_indirect_dma semaphore(%arg33 : memref<!tpu.dma_semaphore, #tpu.memory_space<semaphore_mem>>) src(%dma_wait3A_907 : memref<10008x128xf32, #tpu.memory_space<hbm>>) dst(%arg16 : memref<64x128xf32, #tpu.memory_space<vmem>>)
      %dma_wait3A_908 = tpu.memref_slice %arg4[%add3A_852] : memref<640000xi32, #tpu.memory_space<hbm>> -> memref<64xi32, #tpu.memory_space<hbm>>
      %dma_wait3A_909 = tpu.memref_slice %arg4[%add3A_852] : memref<640000xi32, #tpu.memory_space<hbm>> -> memref<64xi32, #tpu.memory_space<hbm>>
      tpu.wait_dma2 semaphore(%arg28 : memref<!tpu.dma_semaphore, #tpu.memory_space<semaphore_mem>>) src(%dma_wait3A_909 : memref<64xi32, #tpu.memory_space<hbm>>) dst(%arg11 : memref<64xi32, #tpu.memory_space<vmem>>)
      %dma_start3A_910 = arith.constant 0 : i32
      %dma_start3A_911 = arith.constant 0 : i32
      %dma_start3A_912 = tpu.memref_slice %arg22[%dma_start3A_910, %dma_start3A_911] : memref<10000x128xf32, #tpu.memory_space<vmem_shared>> -> memref<10000x128xf32, #tpu.memory_space<vmem_shared>>
      tpu.enqueue_indirect_dma source(%arg16 : memref<64x128xf32, #tpu.memory_space<vmem>>) target(%dma_start3A_912 : memref<10000x128xf32, #tpu.memory_space<vmem_shared>>) offsets(%arg11 : memref<64xi32, #tpu.memory_space<vmem>>) semaphore(%arg38 : memref<!tpu.dma_semaphore, #tpu.memory_space<semaphore_mem>>) {add = true}
      %dma_wait3A_913 = arith.constant 0 : i32
      %dma_wait3A_914 = arith.constant 0 : i32
      %dma_wait3A_915 = tpu.memref_slice %arg2[%dma_wait3A_913, %dma_wait3A_914] : memref<10008x128xf32, #tpu.memory_space<hbm>> -> memref<10008x128xf32, #tpu.memory_space<hbm>>
      tpu.wait_indirect_dma semaphore(%arg34 : memref<!tpu.dma_semaphore, #tpu.memory_space<semaphore_mem>>) src(%dma_wait3A_915 : memref<10008x128xf32, #tpu.memory_space<hbm>>) dst(%arg17 : memref<64x128xf32, #tpu.memory_space<vmem>>)
      %dma_wait3A_916 = tpu.memref_slice %arg4[%add3A_857] : memref<640000xi32, #tpu.memory_space<hbm>> -> memref<64xi32, #tpu.memory_space<hbm>>
      %dma_wait3A_917 = tpu.memref_slice %arg4[%add3A_857] : memref<640000xi32, #tpu.memory_space<hbm>> -> memref<64xi32, #tpu.memory_space<hbm>>
      tpu.wait_dma2 semaphore(%arg29 : memref<!tpu.dma_semaphore, #tpu.memory_space<semaphore_mem>>) src(%dma_wait3A_917 : memref<64xi32, #tpu.memory_space<hbm>>) dst(%arg12 : memref<64xi32, #tpu.memory_space<vmem>>)
      %dma_start3A_918 = arith.constant 0 : i32
      %dma_start3A_919 = arith.constant 0 : i32
      %dma_start3A_920 = tpu.memref_slice %arg22[%dma_start3A_918, %dma_start3A_919] : memref<10000x128xf32, #tpu.memory_space<vmem_shared>> -> memref<10000x128xf32, #tpu.memory_space<vmem_shared>>
      tpu.enqueue_indirect_dma source(%arg17 : memref<64x128xf32, #tpu.memory_space<vmem>>) target(%dma_start3A_920 : memref<10000x128xf32, #tpu.memory_space<vmem_shared>>) offsets(%arg12 : memref<64xi32, #tpu.memory_space<vmem>>) semaphore(%arg39 : memref<!tpu.dma_semaphore, #tpu.memory_space<semaphore_mem>>) {add = true}
      %dma_wait3A_921 = arith.constant 0 : i32
      %dma_wait3A_922 = arith.constant 0 : i32
      %dma_wait3A_923 = tpu.memref_slice %arg2[%dma_wait3A_921, %dma_wait3A_922] : memref<10008x128xf32, #tpu.memory_space<hbm>> -> memref<10008x128xf32, #tpu.memory_space<hbm>>
      tpu.wait_indirect_dma semaphore(%arg35 : memref<!tpu.dma_semaphore, #tpu.memory_space<semaphore_mem>>) src(%dma_wait3A_923 : memref<10008x128xf32, #tpu.memory_space<hbm>>) dst(%arg18 : memref<64x128xf32, #tpu.memory_space<vmem>>)
      %dma_wait3A_924 = tpu.memref_slice %arg4[%add3A_863] : memref<640000xi32, #tpu.memory_space<hbm>> -> memref<64xi32, #tpu.memory_space<hbm>>
      %dma_wait3A_925 = tpu.memref_slice %arg4[%add3A_863] : memref<640000xi32, #tpu.memory_space<hbm>> -> memref<64xi32, #tpu.memory_space<hbm>>
      tpu.wait_dma2 semaphore(%arg30 : memref<!tpu.dma_semaphore, #tpu.memory_space<semaphore_mem>>) src(%dma_wait3A_925 : memref<64xi32, #tpu.memory_space<hbm>>) dst(%arg13 : memref<64xi32, #tpu.memory_space<vmem>>)
      %dma_start3A_926 = arith.constant 0 : i32
      %dma_start3A_927 = arith.constant 0 : i32
      %dma_start3A_928 = tpu.memref_slice %arg22[%dma_start3A_926, %dma_start3A_927] : memref<10000x128xf32, #tpu.memory_space<vmem_shared>> -> memref<10000x128xf32, #tpu.memory_space<vmem_shared>>
      tpu.enqueue_indirect_dma source(%arg18 : memref<64x128xf32, #tpu.memory_space<vmem>>) target(%dma_start3A_928 : memref<10000x128xf32, #tpu.memory_space<vmem_shared>>) offsets(%arg13 : memref<64xi32, #tpu.memory_space<vmem>>) semaphore(%arg40 : memref<!tpu.dma_semaphore, #tpu.memory_space<semaphore_mem>>) {add = true}
      %dma_wait3A_929 = arith.constant 0 : i32
      %dma_wait3A_930 = arith.constant 0 : i32
      %dma_wait3A_931 = tpu.memref_slice %arg2[%dma_wait3A_929, %dma_wait3A_930] : memref<10008x128xf32, #tpu.memory_space<hbm>> -> memref<10008x128xf32, #tpu.memory_space<hbm>>
      tpu.wait_indirect_dma semaphore(%arg36 : memref<!tpu.dma_semaphore, #tpu.memory_space<semaphore_mem>>) src(%dma_wait3A_931 : memref<10008x128xf32, #tpu.memory_space<hbm>>) dst(%arg19 : memref<64x128xf32, #tpu.memory_space<vmem>>)
      %dma_wait3A_932 = tpu.memref_slice %arg4[%add3A_869] : memref<640000xi32, #tpu.memory_space<hbm>> -> memref<64xi32, #tpu.memory_space<hbm>>
      %dma_wait3A_933 = tpu.memref_slice %arg4[%add3A_869] : memref<640000xi32, #tpu.memory_space<hbm>> -> memref<64xi32, #tpu.memory_space<hbm>>
      tpu.wait_dma2 semaphore(%arg31 : memref<!tpu.dma_semaphore, #tpu.memory_space<semaphore_mem>>) src(%dma_wait3A_933 : memref<64xi32, #tpu.memory_space<hbm>>) dst(%arg14 : memref<64xi32, #tpu.memory_space<vmem>>)
      %dma_start3A_934 = arith.constant 0 : i32
      %dma_start3A_935 = arith.constant 0 : i32
      %dma_start3A_936 = tpu.memref_slice %arg22[%dma_start3A_934, %dma_start3A_935] : memref<10000x128xf32, #tpu.memory_space<vmem_shared>> -> memref<10000x128xf32, #tpu.memory_space<vmem_shared>>
      tpu.enqueue_indirect_dma source(%arg19 : memref<64x128xf32, #tpu.memory_space<vmem>>) target(%dma_start3A_936 : memref<10000x128xf32, #tpu.memory_space<vmem_shared>>) offsets(%arg14 : memref<64xi32, #tpu.memory_space<vmem>>) semaphore(%arg41 : memref<!tpu.dma_semaphore, #tpu.memory_space<semaphore_mem>>) {add = true}
      %dma_wait3A_937 = arith.constant 0 : i32
      %dma_wait3A_938 = arith.constant 0 : i32
      %dma_wait3A_939 = tpu.memref_slice %arg2[%dma_wait3A_937, %dma_wait3A_938] : memref<10008x128xf32, #tpu.memory_space<hbm>> -> memref<10008x128xf32, #tpu.memory_space<hbm>>
      tpu.wait_indirect_dma semaphore(%arg37 : memref<!tpu.dma_semaphore, #tpu.memory_space<semaphore_mem>>) src(%dma_wait3A_939 : memref<10008x128xf32, #tpu.memory_space<hbm>>) dst(%arg20 : memref<64x128xf32, #tpu.memory_space<vmem>>)
      %dma_wait3A_940 = tpu.memref_slice %arg4[%add3A_875] : memref<640000xi32, #tpu.memory_space<hbm>> -> memref<64xi32, #tpu.memory_space<hbm>>
      %dma_wait3A_941 = tpu.memref_slice %arg4[%add3A_875] : memref<640000xi32, #tpu.memory_space<hbm>> -> memref<64xi32, #tpu.memory_space<hbm>>
      tpu.wait_dma2 semaphore(%arg32 : memref<!tpu.dma_semaphore, #tpu.memory_space<semaphore_mem>>) src(%dma_wait3A_941 : memref<64xi32, #tpu.memory_space<hbm>>) dst(%arg15 : memref<64xi32, #tpu.memory_space<vmem>>)
      %dma_start3A_942 = arith.constant 0 : i32
      %dma_start3A_943 = arith.constant 0 : i32
      %dma_start3A_944 = tpu.memref_slice %arg22[%dma_start3A_942, %dma_start3A_943] : memref<10000x128xf32, #tpu.memory_space<vmem_shared>> -> memref<10000x128xf32, #tpu.memory_space<vmem_shared>>
      tpu.enqueue_indirect_dma source(%arg20 : memref<64x128xf32, #tpu.memory_space<vmem>>) target(%dma_start3A_944 : memref<10000x128xf32, #tpu.memory_space<vmem_shared>>) offsets(%arg15 : memref<64xi32, #tpu.memory_space<vmem>>) semaphore(%arg42 : memref<!tpu.dma_semaphore, #tpu.memory_space<semaphore_mem>>) {add = true}
    }
    %while3A_819 = arith.constant 1 : i32
    scf.for %while3A_845 = %while3A_817 to %while3A_813 step %while3A_819  : i32 {
      %gt3A = arith.constant 0 : i32
      %gt3A_846 = arith.cmpi sgt, %while3A_845, %gt3A : i32
      %convert_element_type3A = arith.extui %gt3A_846 : i1 to i32
      %cond3A = arith.constant 0 : i32
      %cond3A_847 = arith.cmpi ne, %convert_element_type3A, %cond3A : i32
      scf.if %cond3A_847 {
        %dma_wait3A_945 = arith.constant 0 : i32
        %dma_wait3A_946 = arith.constant 0 : i32
        %dma_wait3A_947 = tpu.memref_slice %arg22[%dma_wait3A_945, %dma_wait3A_946] : memref<10000x128xf32, #tpu.memory_space<vmem_shared>> -> memref<10000x128xf32, #tpu.memory_space<vmem_shared>>
        tpu.wait_indirect_dma semaphore(%arg38 : memref<!tpu.dma_semaphore, #tpu.memory_space<semaphore_mem>>) src(%arg16 : memref<64x128xf32, #tpu.memory_space<vmem>>) dst(%dma_wait3A_947 : memref<10000x128xf32, #tpu.memory_space<vmem_shared>>)
        %dma_wait3A_948 = arith.constant 0 : i32
        %dma_wait3A_949 = arith.constant 0 : i32
        %dma_wait3A_950 = tpu.memref_slice %arg22[%dma_wait3A_948, %dma_wait3A_949] : memref<10000x128xf32, #tpu.memory_space<vmem_shared>> -> memref<10000x128xf32, #tpu.memory_space<vmem_shared>>
        tpu.wait_indirect_dma semaphore(%arg39 : memref<!tpu.dma_semaphore, #tpu.memory_space<semaphore_mem>>) src(%arg17 : memref<64x128xf32, #tpu.memory_space<vmem>>) dst(%dma_wait3A_950 : memref<10000x128xf32, #tpu.memory_space<vmem_shared>>)
        %dma_wait3A_951 = arith.constant 0 : i32
        %dma_wait3A_952 = arith.constant 0 : i32
        %dma_wait3A_953 = tpu.memref_slice %arg22[%dma_wait3A_951, %dma_wait3A_952] : memref<10000x128xf32, #tpu.memory_space<vmem_shared>> -> memref<10000x128xf32, #tpu.memory_space<vmem_shared>>
        tpu.wait_indirect_dma semaphore(%arg40 : memref<!tpu.dma_semaphore, #tpu.memory_space<semaphore_mem>>) src(%arg18 : memref<64x128xf32, #tpu.memory_space<vmem>>) dst(%dma_wait3A_953 : memref<10000x128xf32, #tpu.memory_space<vmem_shared>>)
        %dma_wait3A_954 = arith.constant 0 : i32
        %dma_wait3A_955 = arith.constant 0 : i32
        %dma_wait3A_956 = tpu.memref_slice %arg22[%dma_wait3A_954, %dma_wait3A_955] : memref<10000x128xf32, #tpu.memory_space<vmem_shared>> -> memref<10000x128xf32, #tpu.memory_space<vmem_shared>>
        tpu.wait_indirect_dma semaphore(%arg41 : memref<!tpu.dma_semaphore, #tpu.memory_space<semaphore_mem>>) src(%arg19 : memref<64x128xf32, #tpu.memory_space<vmem>>) dst(%dma_wait3A_956 : memref<10000x128xf32, #tpu.memory_space<vmem_shared>>)
        %dma_wait3A_957 = arith.constant 0 : i32
        %dma_wait3A_958 = arith.constant 0 : i32
        %dma_wait3A_959 = tpu.memref_slice %arg22[%dma_wait3A_957, %dma_wait3A_958] : memref<10000x128xf32, #tpu.memory_space<vmem_shared>> -> memref<10000x128xf32, #tpu.memory_space<vmem_shared>>
        tpu.wait_indirect_dma semaphore(%arg42 : memref<!tpu.dma_semaphore, #tpu.memory_space<semaphore_mem>>) src(%arg20 : memref<64x128xf32, #tpu.memory_space<vmem>>) dst(%dma_wait3A_959 : memref<10000x128xf32, #tpu.memory_space<vmem_shared>>)
      } else {
      }
      %mul3A_848 = arith.constant 320 : i32
      %mul3A_849 = arith.muli %while3A_845, %mul3A_848 : i32
      %add3A_850 = arith.addi %mul3A_6, %mul3A_849 : i32
      %add3A_851 = arith.constant 0 : i32
      %add3A_852 = arith.addi %add3A_850, %add3A_851 : i32
      %dma_start3A = tpu.memref_slice %arg3[%add3A_852] : memref<640000xi32, #tpu.memory_space<hbm>> -> memref<64xi32, #tpu.memory_space<hbm>>
      %dma_start3A_853 = tpu.memref_slice %arg3[%add3A_852] : memref<640000xi32, #tpu.memory_space<hbm>> -> memref<64xi32, #tpu.memory_space<hbm>>
      tpu.enqueue_dma source(%dma_start3A_853 : memref<64xi32, #tpu.memory_space<hbm>>) target(%arg6 : memref<64xi32, #tpu.memory_space<vmem>>) target_semaphore(%arg23 : memref<!tpu.dma_semaphore, #tpu.memory_space<semaphore_mem>>)
      %dma_start3A_854 = tpu.memref_slice %arg4[%add3A_852] : memref<640000xi32, #tpu.memory_space<hbm>> -> memref<64xi32, #tpu.memory_space<hbm>>
      %dma_start3A_855 = tpu.memref_slice %arg4[%add3A_852] : memref<640000xi32, #tpu.memory_space<hbm>> -> memref<64xi32, #tpu.memory_space<hbm>>
      tpu.enqueue_dma source(%dma_start3A_855 : memref<64xi32, #tpu.memory_space<hbm>>) target(%arg11 : memref<64xi32, #tpu.memory_space<vmem>>) target_semaphore(%arg28 : memref<!tpu.dma_semaphore, #tpu.memory_space<semaphore_mem>>)
      %add3A_856 = arith.constant 64 : i32
      %add3A_857 = arith.addi %add3A_850, %add3A_856 : i32
      %dma_start3A_858 = tpu.memref_slice %arg3[%add3A_857] : memref<640000xi32, #tpu.memory_space<hbm>> -> memref<64xi32, #tpu.memory_space<hbm>>
      %dma_start3A_859 = tpu.memref_slice %arg3[%add3A_857] : memref<640000xi32, #tpu.memory_space<hbm>> -> memref<64xi32, #tpu.memory_space<hbm>>
      tpu.enqueue_dma source(%dma_start3A_859 : memref<64xi32, #tpu.memory_space<hbm>>) target(%arg7 : memref<64xi32, #tpu.memory_space<vmem>>) target_semaphore(%arg24 : memref<!tpu.dma_semaphore, #tpu.memory_space<semaphore_mem>>)
      %dma_start3A_860 = tpu.memref_slice %arg4[%add3A_857] : memref<640000xi32, #tpu.memory_space<hbm>> -> memref<64xi32, #tpu.memory_space<hbm>>
      %dma_start3A_861 = tpu.memref_slice %arg4[%add3A_857] : memref<640000xi32, #tpu.memory_space<hbm>> -> memref<64xi32, #tpu.memory_space<hbm>>
      tpu.enqueue_dma source(%dma_start3A_861 : memref<64xi32, #tpu.memory_space<hbm>>) target(%arg12 : memref<64xi32, #tpu.memory_space<vmem>>) target_semaphore(%arg29 : memref<!tpu.dma_semaphore, #tpu.memory_space<semaphore_mem>>)
      %add3A_862 = arith.constant 128 : i32
      %add3A_863 = arith.addi %add3A_850, %add3A_862 : i32
      %dma_start3A_864 = tpu.memref_slice %arg3[%add3A_863] : memref<640000xi32, #tpu.memory_space<hbm>> -> memref<64xi32, #tpu.memory_space<hbm>>
      %dma_start3A_865 = tpu.memref_slice %arg3[%add3A_863] : memref<640000xi32, #tpu.memory_space<hbm>> -> memref<64xi32, #tpu.memory_space<hbm>>
      tpu.enqueue_dma source(%dma_start3A_865 : memref<64xi32, #tpu.memory_space<hbm>>) target(%arg8 : memref<64xi32, #tpu.memory_space<vmem>>) target_semaphore(%arg25 : memref<!tpu.dma_semaphore, #tpu.memory_space<semaphore_mem>>)
      %dma_start3A_866 = tpu.memref_slice %arg4[%add3A_863] : memref<640000xi32, #tpu.memory_space<hbm>> -> memref<64xi32, #tpu.memory_space<hbm>>
      %dma_start3A_867 = tpu.memref_slice %arg4[%add3A_863] : memref<640000xi32, #tpu.memory_space<hbm>> -> memref<64xi32, #tpu.memory_space<hbm>>
      tpu.enqueue_dma source(%dma_start3A_867 : memref<64xi32, #tpu.memory_space<hbm>>) target(%arg13 : memref<64xi32, #tpu.memory_space<vmem>>) target_semaphore(%arg30 : memref<!tpu.dma_semaphore, #tpu.memory_space<semaphore_mem>>)
      %add3A_868 = arith.constant 192 : i32
      %add3A_869 = arith.addi %add3A_850, %add3A_868 : i32
      %dma_start3A_870 = tpu.memref_slice %arg3[%add3A_869] : memref<640000xi32, #tpu.memory_space<hbm>> -> memref<64xi32, #tpu.memory_space<hbm>>
      %dma_start3A_871 = tpu.memref_slice %arg3[%add3A_869] : memref<640000xi32, #tpu.memory_space<hbm>> -> memref<64xi32, #tpu.memory_space<hbm>>
      tpu.enqueue_dma source(%dma_start3A_871 : memref<64xi32, #tpu.memory_space<hbm>>) target(%arg9 : memref<64xi32, #tpu.memory_space<vmem>>) target_semaphore(%arg26 : memref<!tpu.dma_semaphore, #tpu.memory_space<semaphore_mem>>)
      %dma_start3A_872 = tpu.memref_slice %arg4[%add3A_869] : memref<640000xi32, #tpu.memory_space<hbm>> -> memref<64xi32, #tpu.memory_space<hbm>>
      %dma_start3A_873 = tpu.memref_slice %arg4[%add3A_869] : memref<640000xi32, #tpu.memory_space<hbm>> -> memref<64xi32, #tpu.memory_space<hbm>>
      tpu.enqueue_dma source(%dma_start3A_873 : memref<64xi32, #tpu.memory_space<hbm>>) target(%arg14 : memref<64xi32, #tpu.memory_space<vmem>>) target_semaphore(%arg31 : memref<!tpu.dma_semaphore, #tpu.memory_space<semaphore_mem>>)
      %add3A_874 = arith.constant 256 : i32
      %add3A_875 = arith.addi %add3A_850, %add3A_874 : i32
      %dma_start3A_876 = tpu.memref_slice %arg3[%add3A_875] : memref<640000xi32, #tpu.memory_space<hbm>> -> memref<64xi32, #tpu.memory_space<hbm>>
      %dma_start3A_877 = tpu.memref_slice %arg3[%add3A_875] : memref<640000xi32, #tpu.memory_space<hbm>> -> memref<64xi32, #tpu.memory_space<hbm>>
      tpu.enqueue_dma source(%dma_start3A_877 : memref<64xi32, #tpu.memory_space<hbm>>) target(%arg10 : memref<64xi32, #tpu.memory_space<vmem>>) target_semaphore(%arg27 : memref<!tpu.dma_semaphore, #tpu.memory_space<semaphore_mem>>)
      %dma_start3A_878 = tpu.memref_slice %arg4[%add3A_875] : memref<640000xi32, #tpu.memory_space<hbm>> -> memref<64xi32, #tpu.memory_space<hbm>>
      %dma_start3A_879 = tpu.memref_slice %arg4[%add3A_875] : memref<640000xi32, #tpu.memory_space<hbm>> -> memref<64xi32, #tpu.memory_space<hbm>>
      tpu.enqueue_dma source(%dma_start3A_879 : memref<64xi32, #tpu.memory_space<hbm>>) target(%arg15 : memref<64xi32, #tpu.memory_space<vmem>>) target_semaphore(%arg32 : memref<!tpu.dma_semaphore, #tpu.memory_space<semaphore_mem>>)
      %dma_wait3A_880 = tpu.memref_slice %arg3[%add3A_852] : memref<640000xi32, #tpu.memory_space<hbm>> -> memref<64xi32, #tpu.memory_space<hbm>>
      %dma_wait3A_881 = tpu.memref_slice %arg3[%add3A_852] : memref<640000xi32, #tpu.memory_space<hbm>> -> memref<64xi32, #tpu.memory_space<hbm>>
      tpu.wait_dma2 semaphore(%arg23 : memref<!tpu.dma_semaphore, #tpu.memory_space<semaphore_mem>>) src(%dma_wait3A_881 : memref<64xi32, #tpu.memory_space<hbm>>) dst(%arg6 : memref<64xi32, #tpu.memory_space<vmem>>)
      %dma_start3A_882 = arith.constant 0 : i32
      %dma_start3A_883 = arith.constant 0 : i32
      %dma_start3A_884 = tpu.memref_slice %arg2[%dma_start3A_882, %dma_start3A_883] : memref<10008x128xf32, #tpu.memory_space<hbm>> -> memref<10008x128xf32, #tpu.memory_space<hbm>>
      tpu.enqueue_indirect_dma source(%dma_start3A_884 : memref<10008x128xf32, #tpu.memory_space<hbm>>) target(%arg16 : memref<64x128xf32, #tpu.memory_space<vmem>>) offsets(%arg6 : memref<64xi32, #tpu.memory_space<vmem>>) semaphore(%arg33 : memref<!tpu.dma_semaphore, #tpu.memory_space<semaphore_mem>>)
      %dma_wait3A_885 = tpu.memref_slice %arg3[%add3A_857] : memref<640000xi32, #tpu.memory_space<hbm>> -> memref<64xi32, #tpu.memory_space<hbm>>
      %dma_wait3A_886 = tpu.memref_slice %arg3[%add3A_857] : memref<640000xi32, #tpu.memory_space<hbm>> -> memref<64xi32, #tpu.memory_space<hbm>>
      tpu.wait_dma2 semaphore(%arg24 : memref<!tpu.dma_semaphore, #tpu.memory_space<semaphore_mem>>) src(%dma_wait3A_886 : memref<64xi32, #tpu.memory_space<hbm>>) dst(%arg7 : memref<64xi32, #tpu.memory_space<vmem>>)
      %dma_start3A_887 = arith.constant 0 : i32
      %dma_start3A_888 = arith.constant 0 : i32
      %dma_start3A_889 = tpu.memref_slice %arg2[%dma_start3A_887, %dma_start3A_888] : memref<10008x128xf32, #tpu.memory_space<hbm>> -> memref<10008x128xf32, #tpu.memory_space<hbm>>
      tpu.enqueue_indirect_dma source(%dma_start3A_889 : memref<10008x128xf32, #tpu.memory_space<hbm>>) target(%arg17 : memref<64x128xf32, #tpu.memory_space<vmem>>) offsets(%arg7 : memref<64xi32, #tpu.memory_space<vmem>>) semaphore(%arg34 : memref<!tpu.dma_semaphore, #tpu.memory_space<semaphore_mem>>)
      %dma_wait3A_890 = tpu.memref_slice %arg3[%add3A_863] : memref<640000xi32, #tpu.memory_space<hbm>> -> memref<64xi32, #tpu.memory_space<hbm>>
      %dma_wait3A_891 = tpu.memref_slice %arg3[%add3A_863] : memref<640000xi32, #tpu.memory_space<hbm>> -> memref<64xi32, #tpu.memory_space<hbm>>
      tpu.wait_dma2 semaphore(%arg25 : memref<!tpu.dma_semaphore, #tpu.memory_space<semaphore_mem>>) src(%dma_wait3A_891 : memref<64xi32, #tpu.memory_space<hbm>>) dst(%arg8 : memref<64xi32, #tpu.memory_space<vmem>>)
      %dma_start3A_892 = arith.constant 0 : i32
      %dma_start3A_893 = arith.constant 0 : i32
      %dma_start3A_894 = tpu.memref_slice %arg2[%dma_start3A_892, %dma_start3A_893] : memref<10008x128xf32, #tpu.memory_space<hbm>> -> memref<10008x128xf32, #tpu.memory_space<hbm>>
      tpu.enqueue_indirect_dma source(%dma_start3A_894 : memref<10008x128xf32, #tpu.memory_space<hbm>>) target(%arg18 : memref<64x128xf32, #tpu.memory_space<vmem>>) offsets(%arg8 : memref<64xi32, #tpu.memory_space<vmem>>) semaphore(%arg35 : memref<!tpu.dma_semaphore, #tpu.memory_space<semaphore_mem>>)
      %dma_wait3A_895 = tpu.memref_slice %arg3[%add3A_869] : memref<640000xi32, #tpu.memory_space<hbm>> -> memref<64xi32, #tpu.memory_space<hbm>>
      %dma_wait3A_896 = tpu.memref_slice %arg3[%add3A_869] : memref<640000xi32, #tpu.memory_space<hbm>> -> memref<64xi32, #tpu.memory_space<hbm>>
      tpu.wait_dma2 semaphore(%arg26 : memref<!tpu.dma_semaphore, #tpu.memory_space<semaphore_mem>>) src(%dma_wait3A_896 : memref<64xi32, #tpu.memory_space<hbm>>) dst(%arg9 : memref<64xi32, #tpu.memory_space<vmem>>)
      %dma_start3A_897 = arith.constant 0 : i32
      %dma_start3A_898 = arith.constant 0 : i32
      %dma_start3A_899 = tpu.memref_slice %arg2[%dma_start3A_897, %dma_start3A_898] : memref<10008x128xf32, #tpu.memory_space<hbm>> -> memref<10008x128xf32, #tpu.memory_space<hbm>>
      tpu.enqueue_indirect_dma source(%dma_start3A_899 : memref<10008x128xf32, #tpu.memory_space<hbm>>) target(%arg19 : memref<64x128xf32, #tpu.memory_space<vmem>>) offsets(%arg9 : memref<64xi32, #tpu.memory_space<vmem>>) semaphore(%arg36 : memref<!tpu.dma_semaphore, #tpu.memory_space<semaphore_mem>>)
      %dma_wait3A_900 = tpu.memref_slice %arg3[%add3A_875] : memref<640000xi32, #tpu.memory_space<hbm>> -> memref<64xi32, #tpu.memory_space<hbm>>
      %dma_wait3A_901 = tpu.memref_slice %arg3[%add3A_875] : memref<640000xi32, #tpu.memory_space<hbm>> -> memref<64xi32, #tpu.memory_space<hbm>>
      tpu.wait_dma2 semaphore(%arg27 : memref<!tpu.dma_semaphore, #tpu.memory_space<semaphore_mem>>) src(%dma_wait3A_901 : memref<64xi32, #tpu.memory_space<hbm>>) dst(%arg10 : memref<64xi32, #tpu.memory_space<vmem>>)
      %dma_start3A_902 = arith.constant 0 : i32
      %dma_start3A_903 = arith.constant 0 : i32
      %dma_start3A_904 = tpu.memref_slice %arg2[%dma_start3A_902, %dma_start3A_903] : memref<10008x128xf32, #tpu.memory_space<hbm>> -> memref<10008x128xf32, #tpu.memory_space<hbm>>
      tpu.enqueue_indirect_dma source(%dma_start3A_904 : memref<10008x128xf32, #tpu.memory_space<hbm>>) target(%arg20 : memref<64x128xf32, #tpu.memory_space<vmem>>) offsets(%arg10 : memref<64xi32, #tpu.memory_space<vmem>>) semaphore(%arg37 : memref<!tpu.dma_semaphore, #tpu.memory_space<semaphore_mem>>)
      %dma_wait3A_905 = arith.constant 0 : i32
      %dma_wait3A_906 = arith.constant 0 : i32
      %dma_wait3A_907 = tpu.memref_slice %arg2[%dma_wait3A_905, %dma_wait3A_906] : memref<10008x128xf32, #tpu.memory_space<hbm>> -> memref<10008x128xf32, #tpu.memory_space<hbm>>
      tpu.wait_indirect_dma semaphore(%arg33 : memref<!tpu.dma_semaphore, #tpu.memory_space<semaphore_mem>>) src(%dma_wait3A_907 : memref<10008x128xf32, #tpu.memory_space<hbm>>) dst(%arg16 : memref<64x128xf32, #tpu.memory_space<vmem>>)
      %dma_wait3A_908 = tpu.memref_slice %arg4[%add3A_852] : memref<640000xi32, #tpu.memory_space<hbm>> -> memref<64xi32, #tpu.memory_space<hbm>>
      %dma_wait3A_909 = tpu.memref_slice %arg4[%add3A_852] : memref<640000xi32, #tpu.memory_space<hbm>> -> memref<64xi32, #tpu.memory_space<hbm>>
      tpu.wait_dma2 semaphore(%arg28 : memref<!tpu.dma_semaphore, #tpu.memory_space<semaphore_mem>>) src(%dma_wait3A_909 : memref<64xi32, #tpu.memory_space<hbm>>) dst(%arg11 : memref<64xi32, #tpu.memory_space<vmem>>)
      %dma_start3A_910 = arith.constant 0 : i32
      %dma_start3A_911 = arith.constant 0 : i32
      %dma_start3A_912 = tpu.memref_slice %arg22[%dma_start3A_910, %dma_start3A_911] : memref<10000x128xf32, #tpu.memory_space<vmem_shared>> -> memref<10000x128xf32, #tpu.memory_space<vmem_shared>>
      tpu.enqueue_indirect_dma source(%arg16 : memref<64x128xf32, #tpu.memory_space<vmem>>) target(%dma_start3A_912 : memref<10000x128xf32, #tpu.memory_space<vmem_shared>>) offsets(%arg11 : memref<64xi32, #tpu.memory_space<vmem>>) semaphore(%arg38 : memref<!tpu.dma_semaphore, #tpu.memory_space<semaphore_mem>>) {add = true}
      %dma_wait3A_913 = arith.constant 0 : i32
      %dma_wait3A_914 = arith.constant 0 : i32
      %dma_wait3A_915 = tpu.memref_slice %arg2[%dma_wait3A_913, %dma_wait3A_914] : memref<10008x128xf32, #tpu.memory_space<hbm>> -> memref<10008x128xf32, #tpu.memory_space<hbm>>
      tpu.wait_indirect_dma semaphore(%arg34 : memref<!tpu.dma_semaphore, #tpu.memory_space<semaphore_mem>>) src(%dma_wait3A_915 : memref<10008x128xf32, #tpu.memory_space<hbm>>) dst(%arg17 : memref<64x128xf32, #tpu.memory_space<vmem>>)
      %dma_wait3A_916 = tpu.memref_slice %arg4[%add3A_857] : memref<640000xi32, #tpu.memory_space<hbm>> -> memref<64xi32, #tpu.memory_space<hbm>>
      %dma_wait3A_917 = tpu.memref_slice %arg4[%add3A_857] : memref<640000xi32, #tpu.memory_space<hbm>> -> memref<64xi32, #tpu.memory_space<hbm>>
      tpu.wait_dma2 semaphore(%arg29 : memref<!tpu.dma_semaphore, #tpu.memory_space<semaphore_mem>>) src(%dma_wait3A_917 : memref<64xi32, #tpu.memory_space<hbm>>) dst(%arg12 : memref<64xi32, #tpu.memory_space<vmem>>)
      %dma_start3A_918 = arith.constant 0 : i32
      %dma_start3A_919 = arith.constant 0 : i32
      %dma_start3A_920 = tpu.memref_slice %arg22[%dma_start3A_918, %dma_start3A_919] : memref<10000x128xf32, #tpu.memory_space<vmem_shared>> -> memref<10000x128xf32, #tpu.memory_space<vmem_shared>>
      tpu.enqueue_indirect_dma source(%arg17 : memref<64x128xf32, #tpu.memory_space<vmem>>) target(%dma_start3A_920 : memref<10000x128xf32, #tpu.memory_space<vmem_shared>>) offsets(%arg12 : memref<64xi32, #tpu.memory_space<vmem>>) semaphore(%arg39 : memref<!tpu.dma_semaphore, #tpu.memory_space<semaphore_mem>>) {add = true}
      %dma_wait3A_921 = arith.constant 0 : i32
      %dma_wait3A_922 = arith.constant 0 : i32
      %dma_wait3A_923 = tpu.memref_slice %arg2[%dma_wait3A_921, %dma_wait3A_922] : memref<10008x128xf32, #tpu.memory_space<hbm>> -> memref<10008x128xf32, #tpu.memory_space<hbm>>
      tpu.wait_indirect_dma semaphore(%arg35 : memref<!tpu.dma_semaphore, #tpu.memory_space<semaphore_mem>>) src(%dma_wait3A_923 : memref<10008x128xf32, #tpu.memory_space<hbm>>) dst(%arg18 : memref<64x128xf32, #tpu.memory_space<vmem>>)
      %dma_wait3A_924 = tpu.memref_slice %arg4[%add3A_863] : memref<640000xi32, #tpu.memory_space<hbm>> -> memref<64xi32, #tpu.memory_space<hbm>>
      %dma_wait3A_925 = tpu.memref_slice %arg4[%add3A_863] : memref<640000xi32, #tpu.memory_space<hbm>> -> memref<64xi32, #tpu.memory_space<hbm>>
      tpu.wait_dma2 semaphore(%arg30 : memref<!tpu.dma_semaphore, #tpu.memory_space<semaphore_mem>>) src(%dma_wait3A_925 : memref<64xi32, #tpu.memory_space<hbm>>) dst(%arg13 : memref<64xi32, #tpu.memory_space<vmem>>)
      %dma_start3A_926 = arith.constant 0 : i32
      %dma_start3A_927 = arith.constant 0 : i32
      %dma_start3A_928 = tpu.memref_slice %arg22[%dma_start3A_926, %dma_start3A_927] : memref<10000x128xf32, #tpu.memory_space<vmem_shared>> -> memref<10000x128xf32, #tpu.memory_space<vmem_shared>>
      tpu.enqueue_indirect_dma source(%arg18 : memref<64x128xf32, #tpu.memory_space<vmem>>) target(%dma_start3A_928 : memref<10000x128xf32, #tpu.memory_space<vmem_shared>>) offsets(%arg13 : memref<64xi32, #tpu.memory_space<vmem>>) semaphore(%arg40 : memref<!tpu.dma_semaphore, #tpu.memory_space<semaphore_mem>>) {add = true}
      %dma_wait3A_929 = arith.constant 0 : i32
      %dma_wait3A_930 = arith.constant 0 : i32
      %dma_wait3A_931 = tpu.memref_slice %arg2[%dma_wait3A_929, %dma_wait3A_930] : memref<10008x128xf32, #tpu.memory_space<hbm>> -> memref<10008x128xf32, #tpu.memory_space<hbm>>
      tpu.wait_indirect_dma semaphore(%arg36 : memref<!tpu.dma_semaphore, #tpu.memory_space<semaphore_mem>>) src(%dma_wait3A_931 : memref<10008x128xf32, #tpu.memory_space<hbm>>) dst(%arg19 : memref<64x128xf32, #tpu.memory_space<vmem>>)
      %dma_wait3A_932 = tpu.memref_slice %arg4[%add3A_869] : memref<640000xi32, #tpu.memory_space<hbm>> -> memref<64xi32, #tpu.memory_space<hbm>>
      %dma_wait3A_933 = tpu.memref_slice %arg4[%add3A_869] : memref<640000xi32, #tpu.memory_space<hbm>> -> memref<64xi32, #tpu.memory_space<hbm>>
      tpu.wait_dma2 semaphore(%arg31 : memref<!tpu.dma_semaphore, #tpu.memory_space<semaphore_mem>>) src(%dma_wait3A_933 : memref<64xi32, #tpu.memory_space<hbm>>) dst(%arg14 : memref<64xi32, #tpu.memory_space<vmem>>)
      %dma_start3A_934 = arith.constant 0 : i32
      %dma_start3A_935 = arith.constant 0 : i32
      %dma_start3A_936 = tpu.memref_slice %arg22[%dma_start3A_934, %dma_start3A_935] : memref<10000x128xf32, #tpu.memory_space<vmem_shared>> -> memref<10000x128xf32, #tpu.memory_space<vmem_shared>>
      tpu.enqueue_indirect_dma source(%arg19 : memref<64x128xf32, #tpu.memory_space<vmem>>) target(%dma_start3A_936 : memref<10000x128xf32, #tpu.memory_space<vmem_shared>>) offsets(%arg14 : memref<64xi32, #tpu.memory_space<vmem>>) semaphore(%arg41 : memref<!tpu.dma_semaphore, #tpu.memory_space<semaphore_mem>>) {add = true}
      %dma_wait3A_937 = arith.constant 0 : i32
      %dma_wait3A_938 = arith.constant 0 : i32
      %dma_wait3A_939 = tpu.memref_slice %arg2[%dma_wait3A_937, %dma_wait3A_938] : memref<10008x128xf32, #tpu.memory_space<hbm>> -> memref<10008x128xf32, #tpu.memory_space<hbm>>
      tpu.wait_indirect_dma semaphore(%arg37 : memref<!tpu.dma_semaphore, #tpu.memory_space<semaphore_mem>>) src(%dma_wait3A_939 : memref<10008x128xf32, #tpu.memory_space<hbm>>) dst(%arg20 : memref<64x128xf32, #tpu.memory_space<vmem>>)
      %dma_wait3A_940 = tpu.memref_slice %arg4[%add3A_875] : memref<640000xi32, #tpu.memory_space<hbm>> -> memref<64xi32, #tpu.memory_space<hbm>>
      %dma_wait3A_941 = tpu.memref_slice %arg4[%add3A_875] : memref<640000xi32, #tpu.memory_space<hbm>> -> memref<64xi32, #tpu.memory_space<hbm>>
      tpu.wait_dma2 semaphore(%arg32 : memref<!tpu.dma_semaphore, #tpu.memory_space<semaphore_mem>>) src(%dma_wait3A_941 : memref<64xi32, #tpu.memory_space<hbm>>) dst(%arg15 : memref<64xi32, #tpu.memory_space<vmem>>)
      %dma_start3A_942 = arith.constant 0 : i32
      %dma_start3A_943 = arith.constant 0 : i32
      %dma_start3A_944 = tpu.memref_slice %arg22[%dma_start3A_942, %dma_start3A_943] : memref<10000x128xf32, #tpu.memory_space<vmem_shared>> -> memref<10000x128xf32, #tpu.memory_space<vmem_shared>>
      tpu.enqueue_indirect_dma source(%arg20 : memref<64x128xf32, #tpu.memory_space<vmem>>) target(%dma_start3A_944 : memref<10000x128xf32, #tpu.memory_space<vmem_shared>>) offsets(%arg15 : memref<64xi32, #tpu.memory_space<vmem>>) semaphore(%arg42 : memref<!tpu.dma_semaphore, #tpu.memory_space<semaphore_mem>>) {add = true}
    }
    %dma_wait3A = arith.constant 0 : i32
    %dma_wait3A_820 = arith.constant 0 : i32
    %dma_wait3A_821 = tpu.memref_slice %arg22[%dma_wait3A, %dma_wait3A_820] : memref<10000x128xf32, #tpu.memory_space<vmem_shared>> -> memref<10000x128xf32, #tpu.memory_space<vmem_shared>>
    tpu.wait_indirect_dma semaphore(%arg38 : memref<!tpu.dma_semaphore, #tpu.memory_space<semaphore_mem>>) src(%arg16 : memref<64x128xf32, #tpu.memory_space<vmem>>) dst(%dma_wait3A_821 : memref<10000x128xf32, #tpu.memory_space<vmem_shared>>)
    %dma_wait3A_822 = arith.constant 0 : i32
    %dma_wait3A_823 = arith.constant 0 : i32
    %dma_wait3A_824 = tpu.memref_slice %arg22[%dma_wait3A_822, %dma_wait3A_823] : memref<10000x128xf32, #tpu.memory_space<vmem_shared>> -> memref<10000x128xf32, #tpu.memory_space<vmem_shared>>
    tpu.wait_indirect_dma semaphore(%arg39 : memref<!tpu.dma_semaphore, #tpu.memory_space<semaphore_mem>>) src(%arg17 : memref<64x128xf32, #tpu.memory_space<vmem>>) dst(%dma_wait3A_824 : memref<10000x128xf32, #tpu.memory_space<vmem_shared>>)
    %dma_wait3A_825 = arith.constant 0 : i32
    %dma_wait3A_826 = arith.constant 0 : i32
    %dma_wait3A_827 = tpu.memref_slice %arg22[%dma_wait3A_825, %dma_wait3A_826] : memref<10000x128xf32, #tpu.memory_space<vmem_shared>> -> memref<10000x128xf32, #tpu.memory_space<vmem_shared>>
    tpu.wait_indirect_dma semaphore(%arg40 : memref<!tpu.dma_semaphore, #tpu.memory_space<semaphore_mem>>) src(%arg18 : memref<64x128xf32, #tpu.memory_space<vmem>>) dst(%dma_wait3A_827 : memref<10000x128xf32, #tpu.memory_space<vmem_shared>>)
    %dma_wait3A_828 = arith.constant 0 : i32
    %dma_wait3A_829 = arith.constant 0 : i32
    %dma_wait3A_830 = tpu.memref_slice %arg22[%dma_wait3A_828, %dma_wait3A_829] : memref<10000x128xf32, #tpu.memory_space<vmem_shared>> -> memref<10000x128xf32, #tpu.memory_space<vmem_shared>>
    tpu.wait_indirect_dma semaphore(%arg41 : memref<!tpu.dma_semaphore, #tpu.memory_space<semaphore_mem>>) src(%arg19 : memref<64x128xf32, #tpu.memory_space<vmem>>) dst(%dma_wait3A_830 : memref<10000x128xf32, #tpu.memory_space<vmem_shared>>)
    %dma_wait3A_831 = arith.constant 0 : i32
    %dma_wait3A_832 = arith.constant 0 : i32
    %dma_wait3A_833 = tpu.memref_slice %arg22[%dma_wait3A_831, %dma_wait3A_832] : memref<10000x128xf32, #tpu.memory_space<vmem_shared>> -> memref<10000x128xf32, #tpu.memory_space<vmem_shared>>
    tpu.wait_indirect_dma semaphore(%arg42 : memref<!tpu.dma_semaphore, #tpu.memory_space<semaphore_mem>>) src(%arg20 : memref<64x128xf32, #tpu.memory_space<vmem>>) dst(%dma_wait3A_833 : memref<10000x128xf32, #tpu.memory_space<vmem_shared>>)
    %barrier3A_834 = arith.constant 0 : index
    tpu.barrier barrier_id(%barrier3A_834)
    %while3A_835 = arith.constant 0 : i32
    %while3A_836 = arith.constant 0 : i32
    %while3A_837 = arith.subi %add3A_32, %while3A_836 : i32
    %while3A_838 = arith.addi %while3A_836, %while3A_837 : i32
    %while3A_839 = arith.constant 1 : i32
    %while3A_840 = arith.divsi %while3A_837, %while3A_839 : i32
    %while3A_841 = arith.muli %while3A_840, %while3A_839 : i32
    %while3A_842 = arith.addi %while3A_836, %while3A_841 : i32
    %while3A_843 = arith.constant 1 : i32
    scf.for %while3A_845 = %while3A_836 to %while3A_842 step %while3A_843  : i32 {
      %mul3A_846 = arith.constant 16 : i32
      %mul3A_847 = arith.muli %while3A_845, %mul3A_846 : i32
      %add3A_848 = arith.addi %arg1, %mul3A_847 : i32
      %mul3A_849 = arith.constant 80 : i32
      %mul3A_850 = arith.muli %add3A_848, %mul3A_849 : i32
      %mul3A_851 = arith.constant 10000 : i32
      %mul3A_852 = arith.muli %arg0, %mul3A_851 : i32
      %add3A_853 = arith.addi %mul3A_852, %mul3A_850 : i32
      "tpu.region"() ({
        %run_scoped3A = tpu.sem_alloc : memref<!tpu.dma_semaphore, #tpu.memory_space<semaphore_mem>>
        %dma_start3A = arith.constant 0 : i32
        %dma_start3A_854 = tpu.memref_slice %arg5[%add3A_853, %dma_start3A] : memref<20000x128xf32, #tpu.memory_space<hbm>> -> memref<80x128xf32, #tpu.memory_space<hbm>>
        %dma_start3A_855 = arith.constant 0 : i32
        %dma_start3A_856 = tpu.memref_slice %arg22[%mul3A_850, %dma_start3A_855] : memref<10000x128xf32, #tpu.memory_space<vmem_shared>> -> memref<80x128xf32, #tpu.memory_space<vmem_shared>>
        tpu.enqueue_dma source(%dma_start3A_856 : memref<80x128xf32, #tpu.memory_space<vmem_shared>>) target(%dma_start3A_854 : memref<80x128xf32, #tpu.memory_space<hbm>>) target_semaphore(%run_scoped3A : memref<!tpu.dma_semaphore, #tpu.memory_space<semaphore_mem>>)
        %dma_wait3A_857 = arith.constant 0 : i32
        %dma_wait3A_858 = tpu.memref_slice %arg5[%add3A_853, %dma_wait3A_857] : memref<20000x128xf32, #tpu.memory_space<hbm>> -> memref<80x128xf32, #tpu.memory_space<hbm>>
        %dma_wait3A_859 = arith.constant 0 : i32
        %dma_wait3A_860 = tpu.memref_slice %arg22[%mul3A_850, %dma_wait3A_859] : memref<10000x128xf32, #tpu.memory_space<vmem_shared>> -> memref<80x128xf32, #tpu.memory_space<vmem_shared>>
        tpu.wait_dma2 semaphore(%run_scoped3A : memref<!tpu.dma_semaphore, #tpu.memory_space<semaphore_mem>>) src(%dma_wait3A_860 : memref<80x128xf32, #tpu.memory_space<vmem_shared>>) dst(%dma_wait3A_858 : memref<80x128xf32, #tpu.memory_space<hbm>>)
        tpu.yield
      }) : () -> ()
    }
    %while3A_844 = arith.constant 1 : i32
    scf.for %while3A_845 = %while3A_842 to %while3A_838 step %while3A_844  : i32 {
      %mul3A_846 = arith.constant 16 : i32
      %mul3A_847 = arith.muli %while3A_845, %mul3A_846 : i32
      %add3A_848 = arith.addi %arg1, %mul3A_847 : i32
      %mul3A_849 = arith.constant 80 : i32
      %mul3A_850 = arith.muli %add3A_848, %mul3A_849 : i32
      %mul3A_851 = arith.constant 10000 : i32
      %mul3A_852 = arith.muli %arg0, %mul3A_851 : i32
      %add3A_853 = arith.addi %mul3A_852, %mul3A_850 : i32
      "tpu.region"() ({
        %run_scoped3A = tpu.sem_alloc : memref<!tpu.dma_semaphore, #tpu.memory_space<semaphore_mem>>
        %dma_start3A = arith.constant 0 : i32
        %dma_start3A_854 = tpu.memref_slice %arg5[%add3A_853, %dma_start3A] : memref<20000x128xf32, #tpu.memory_space<hbm>> -> memref<80x128xf32, #tpu.memory_space<hbm>>
        %dma_start3A_855 = arith.constant 0 : i32
        %dma_start3A_856 = tpu.memref_slice %arg22[%mul3A_850, %dma_start3A_855] : memref<10000x128xf32, #tpu.memory_space<vmem_shared>> -> memref<80x128xf32, #tpu.memory_space<vmem_shared>>
        tpu.enqueue_dma source(%dma_start3A_856 : memref<80x128xf32, #tpu.memory_space<vmem_shared>>) target(%dma_start3A_854 : memref<80x128xf32, #tpu.memory_space<hbm>>) target_semaphore(%run_scoped3A : memref<!tpu.dma_semaphore, #tpu.memory_space<semaphore_mem>>)
        %dma_wait3A_857 = arith.constant 0 : i32
        %dma_wait3A_858 = tpu.memref_slice %arg5[%add3A_853, %dma_wait3A_857] : memref<20000x128xf32, #tpu.memory_space<hbm>> -> memref<80x128xf32, #tpu.memory_space<hbm>>
        %dma_wait3A_859 = arith.constant 0 : i32
        %dma_wait3A_860 = tpu.memref_slice %arg22[%mul3A_850, %dma_wait3A_859] : memref<10000x128xf32, #tpu.memory_space<vmem_shared>> -> memref<80x128xf32, #tpu.memory_space<vmem_shared>>
        tpu.wait_dma2 semaphore(%run_scoped3A : memref<!tpu.dma_semaphore, #tpu.memory_space<semaphore_mem>>) src(%dma_wait3A_860 : memref<80x128xf32, #tpu.memory_space<vmem_shared>>) dst(%dma_wait3A_858 : memref<80x128xf32, #tpu.memory_space<hbm>>)
        tpu.yield
      }) : () -> ()
    }
    return
  }
}

module attributes {stable_mosaic.version = 14 : i64} {
  func.func @body(%arg0: i32, %arg1: memref<1000x128xf32, #tpu.memory_space<vmem>>, %arg2: memref<1000x128xf32, #tpu.memory_space<vmem>>, %arg3: memref<1000x128xf32, #tpu.memory_space<vmem>>, %arg4: memref<1000x128xf32, #tpu.memory_space<vmem>>, %arg5: memref<128x128xf32, #tpu.memory_space<vmem>>, %arg6: memref<1000x128xf32, #tpu.memory_space<vmem>>) attributes {dimension_semantics = [#tpu.dimension_semantics<arbitrary>], iteration_bounds = array<i64: 10>, scalar_prefetch = 0 : i64, scratch_operands = 0 : i64, tpu.core_type = #tpu.core_type<tc>, window_params = [{transform_indices = @transform_0, window_bounds = array<i64: 1000, 128>}, {transform_indices = @transform_1, window_bounds = array<i64: 1000, 128>}, {transform_indices = @transform_2, window_bounds = array<i64: 1000, 128>}, {transform_indices = @transform_3, window_bounds = array<i64: 1000, 128>}, {pipeline_mode = #tpu.pipeline_mode<synchronous>, transform_indices = @transform_4, window_bounds = array<i64: 128, 128>}, {transform_indices = @transform_5, window_bounds = array<i64: 1000, 128>}]} {
    %get3A = arith.constant 0 : index
    %get3A_0 = arith.constant 0 : index
    %get3A_1 = vector.load %arg1[%get3A, %get3A_0] : memref<1000x128xf32, #tpu.memory_space<vmem>>, vector<1000x128xf32>
    %get3A_2 = arith.constant 0 : index
    %get3A_3 = arith.constant 0 : index
    %get3A_4 = vector.load %arg2[%get3A_2, %get3A_3] : memref<1000x128xf32, #tpu.memory_space<vmem>>, vector<1000x128xf32>
    %add3A = arith.addf %get3A_1, %get3A_4 : vector<1000x128xf32>
    %get3A_5 = arith.constant 0 : index
    %get3A_6 = arith.constant 0 : index
    %get3A_7 = vector.load %arg5[%get3A_5, %get3A_6] : memref<128x128xf32, #tpu.memory_space<vmem>>, vector<128x128xf32>
    %dot_general3A = arith.constant dense<0.000000e+00> : vector<1000x128xf32>
    %dot_general3A_8 = tpu.matmul %add3A, %get3A_7, %dot_general3A {dimension_numbers = #tpu.dot_dimension_numbers<[1], [1], [0], [0], [0, 0, 1, 0], [], []>, transpose_lhs_hint = false} : vector<1000x128xf32>, vector<128x128xf32>, vector<1000x128xf32> -> vector<1000x128xf32>
    %get3A_9 = arith.constant 0 : index
    %get3A_10 = arith.constant 0 : index
    %get3A_11 = vector.load %arg3[%get3A_9, %get3A_10] : memref<1000x128xf32, #tpu.memory_space<vmem>>, vector<1000x128xf32>
    %get3A_12 = arith.constant 0 : index
    %get3A_13 = arith.constant 0 : index
    %get3A_14 = vector.load %arg4[%get3A_12, %get3A_13] : memref<1000x128xf32, #tpu.memory_space<vmem>>, vector<1000x128xf32>
    %add3A_15 = arith.addf %get3A_11, %get3A_14 : vector<1000x128xf32>
    %add3A_16 = arith.addf %add3A_15, %dot_general3A_8 : vector<1000x128xf32>
    %ge3A = arith.constant 0.000000e+00 : f32
    %ge3A_17 = vector.broadcast %ge3A : f32 to vector<1000x128xf32>
    %ge3A_18 = arith.cmpf oge, %add3A_16, %ge3A_17 : vector<1000x128xf32>
    %mul3A = arith.constant 0.00999999977 : f32
    %mul3A_19 = vector.broadcast %mul3A : f32 to vector<1000x128xf32>
    %mul3A_20 = arith.mulf %mul3A_19, %add3A_16 : vector<1000x128xf32>
    %select_n3A = arith.select %ge3A_18, %add3A_16, %mul3A_20 : vector<1000x128xi1>, vector<1000x128xf32>
    %swap3A = arith.constant 0 : index
    %swap3A_21 = arith.constant 0 : index
    %swap3A_22 = vector.load %arg6[%swap3A, %swap3A_21] : memref<1000x128xf32, #tpu.memory_space<vmem>>, vector<1000x128xf32>
    tpu.vector_store %arg6[%swap3A, %swap3A_21], %select_n3A {strides = array<i32>} : memref<1000x128xf32, #tpu.memory_space<vmem>>, vector<1000x128xf32>,
    return
  }
  func.func @transform_0(%arg0: i32) -> (i32, i32) {
    %c0_i32 = arith.constant 0 : i32
    %c0_i32_0 = arith.constant 0 : i32
    return %arg0, %c0_i32 : i32, i32
  }
  func.func @transform_1(%arg0: i32) -> (i32, i32) {
    %add3A = arith.constant 10 : i32
    %add3A_0 = arith.addi %add3A, %arg0 : i32
    %c0_i32 = arith.constant 0 : i32
    %c0_i32_1 = arith.constant 0 : i32
    return %add3A_0, %c0_i32 : i32, i32
  }
  func.func @transform_2(%arg0: i32) -> (i32, i32) {
    %c0_i32 = arith.constant 0 : i32
    %c0_i32_0 = arith.constant 0 : i32
    return %arg0, %c0_i32 : i32, i32
  }
  func.func @transform_3(%arg0: i32) -> (i32, i32) {
    %c0_i32 = arith.constant 0 : i32
    %c0_i32_0 = arith.constant 0 : i32
    return %arg0, %c0_i32 : i32, i32
  }
  func.func @transform_4(%arg0: i32) -> (i32, i32) {
    %c0_i32 = arith.constant 0 : i32
    %c0_i32_0 = arith.constant 0 : i32
    %c0_i32_1 = arith.constant 0 : i32
    return %c0_i32, %c0_i32_0 : i32, i32
  }
  func.func @transform_5(%arg0: i32) -> (i32, i32) {
    %c0_i32 = arith.constant 0 : i32
    %c0_i32_0 = arith.constant 0 : i32
    return %arg0, %c0_i32 : i32, i32
  }
}

</mosaic_0001>

<sc_bundles>
// kernel: kernel.4.cloned.1.call-start
scs
__scs_entry_jumppad:
0x0: {  	(pc) =	sbr.rel $0x88, $3  }
0x1: {  	(tag) =	ssettag $0x0;
	lr =	simm.s32 $0x1  }
0x2: {  	[smem:$0x3F9C] =	sst lr;
	_ =	strace $0xD0000000  }
0x3: {  	_ = 	snop  }
0x4: {  	_ = 	snop  }
0x5: {  	_ = 	snop  }
0x6: {  	_ = 	snop  }
0x7: {  	_ = 	snop  }
__scs_overlays_trampoline_lowered:
0x8: {  	[smem:$0x3FAB] =	sst s0  }
0x9: {  	[smem:$0x3FAC] =	sst s1  }
0xa: {  	[smem:$0x3FAD] =	sst s2  }
0xb: {  	[smem:$0x3FAE] =	sst s3  }
0xc: {  	[smem:$0x3FAF] =	sst s4  }
0xd: {  	[smem:$0x3FB0] =	sst s5  }
0xe: {  	[smem:$0x3FB1] =	sst s6  }
0xf: {  	[smem:$0x3FB2] =	sst s7  }
0x10: {  	[smem:$0x3FB3] =	sst s8  }
0x11: {  	[smem:$0x3FB4] =	sst s9;
	s0 =	simm.s32 @!p0 $0x0  }
0x12: {  	s1 =	sld [smem:$0x3F9A];
	s0 =	simm.s32 @p0 $0x1  }
0x13: {  	[smem:$0x3FB5] =	sst s0;
	s0 =	simm.s32 @!p1 $0x0  }
0x14: {  	s2 =	sld [smem:$0x3F99];
	s0 =	simm.s32 @p1 $0x1  }
0x15: {  	[smem:$0x3FB6] =	sst s0;
	s0 =	simm.s32 @!p2 $0x0  }
0x16: {  	s3 =	sld [smem:$0x3FDB];
	s0 =	simm.s32 @p2 $0x1  }
0x17: {  	s4 =	simm.s32 $0x1BF5;
	[smem:$0x3FB8] =	sst s0  }
0x18: {  	s0 =	sld [smem:$0x3F9B];
	_ =	swait.ge [sflag:s4], $0x0  }
0x19: {  	s7 =	sld [smem:$0x3F9C]  }
0x1a: {  	s8 =	sadd.s32 $0xFFFFE003, lr  }
0x1b: {  	s9 =	sadd.s32 $0xFFFFFEF7, lr;
	s5 =	simm.s32 $0xFFFFFFFF;
	p2 =	slt.u32 s8, $0xFFFFF086  }
0x1c: {  	p1 =	slt.u32 s9, $0xF7A;
	s5 =	simm.s32 @!p2 $0x0  }
0x1d: {  	s5 =	simm.s32 @p1 $0x1;
	p0 =	seq.s32 s7, s2  }
0x1e: {  	s7 =	smul.u32 @!p0 $0xF7A, s2;
	p2 =	seq.s32 @!p0 s5, $0x0  }
0x1f: {  	s9 =	smul.u32 $0xF7A, s1;
	s8 =	simm.s32 @!p0 $0x1BF5;
	p2 =	por !p2, p0  }
0x20: {  	[sflag:s8] =	ssyncset.s32 @!p0 $0xFFFFF086;
	s6 =	sadd.s32 @!p0 s3, s7;
	s7 =	simm.s32 @!p0 $0x108  }
0x21: {  	s3 =	sadd.s32 s3, s9;
	s6 =	sadd.s32 @!p0 $0x88, s6;
	s7 =	simm.s32 @p2 $0x1082  }
0x22: {  	[simem:s7], [sflag:s8] =	dma.local @!p0 [hbm:s6], $0xF7A  }
0x23: {  	s9 =	sor.u32 $0xD0000000, s2;
	s6 =	simm.s32 $0x108;
	_ =	swait.ge @!p0 [sflag:s8], $0x0  }
0x24: {  	s3 =	sadd.s32 $0x88, s3;
	s6 =	simm.s32 @!p1 $0x1082;
	[sflag:s4] =	ssyncset.s32 $0xFFFFF086  }
0x25: {  	[simem:s6], [sflag:s4] =	dma.local [hbm:s3], $0xF7A  }
0x26: {  	[smem:$0x3F9C] =	sst s1;
	(tag) =	ssettag s2;
	_ =	strace s9  }
0x27: {  	s1 =	sld [smem:$0x3FAC]  }
0x28: {  	s2 =	sld [smem:$0x3FAD]  }
0x29: {  	s4 =	sld [smem:$0x3FAF]  }
0x2a: {  	p0 =	seq.s32 s5, $0x0;
	s5 =	sld [smem:$0x3FB0]  }
0x2b: {  	s6 =	sld [smem:$0x3FB1]  }
0x2c: {  	s7 =	sld [smem:$0x3FB2]  }
0x2d: {  	s3 =	simm.s32 $0x108;
	s8 =	sld [smem:$0x3FB3]  }
0x2e: {  	s3 =	simm.s32 @!p0 $0x1082;
	s9 =	sld [smem:$0x3FB4]  }
0x2f: {  	lr =	sadd.s32 s0, s3;
	s0 =	sld [smem:$0x3FAB]  }
0x30: {  	s3 =	sld [smem:$0x3FAE]  }
0x31: {  	[smem:$0x3FB7] =	sst s10  }
0x32: {  	s10 =	sld [smem:$0x3FB5];
	_ =	sdelay $0x3  }
0x33: {  	p0 =	seq.s32 s10, $0x1;
	s10 =	sld [smem:$0x3FB7];
	_ =	sdelay $0x3  }
0x34: {  	[smem:$0x3FB7] =	sst s10  }
0x35: {  	s10 =	sld [smem:$0x3FB6];
	_ =	sdelay $0x3  }
0x36: {  	p1 =	seq.s32 s10, $0x1;
	s10 =	sld [smem:$0x3FB7];
	_ =	sdelay $0x3  }
0x37: {  	[smem:$0x3FB7] =	sst s10  }
0x38: {  	s10 =	sld [smem:$0x3FB8]  }
0x39: {  	_ = 	snop;
	(pc) =	sbr.ind lr, $3  }
0x3a: {  	_ = 	snop  }
0x3b: {  	_ = 	snop  }
0x3c: {  	p2 =	seq.s32 s10, $0x1;
	s10 =	sld [smem:$0x3FB7]  }
0x3d: {  	_ =	shalt  }
0x3e: {  	_ =	shalt  }
0x3f: {  	_ =	shalt  }
0x40: {  	_ =	shalt  }
0x41: {  	_ =	shalt  }
0x42: {  	_ =	shalt  }
0x43: {  	_ =	shalt  }
0x44: {  	_ =	shalt  }
0x45: {  	_ =	shalt  }
0x46: {  	_ =	shalt  }
0x47: {  	_ =	shalt  }
0x48: {  	_ =	shalt  }
0x49: {  	_ =	shalt  }
0x4a: {  	_ =	shalt  }
0x4b: {  	_ =	shalt  }
0x4c: {  	_ =	shalt  }
0x4d: {  	_ =	shalt  }
0x4e: {  	_ =	shalt  }
0x4f: {  	_ =	shalt  }
0x50: {  	_ =	shalt  }
0x51: {  	_ =	shalt  }
0x52: {  	_ =	shalt  }
0x53: {  	_ =	shalt  }
0x54: {  	_ =	shalt  }
0x55: {  	_ =	shalt  }
0x56: {  	_ =	shalt  }
0x57: {  	_ =	shalt  }
0x58: {  	_ =	shalt  }
0x59: {  	_ =	shalt  }
0x5a: {  	_ =	shalt  }
0x5b: {  	_ =	shalt  }
0x5c: {  	_ =	shalt  }
0x5d: {  	_ =	shalt  }
0x5e: {  	_ =	shalt  }
0x5f: {  	_ =	shalt  }
0x60: {  	_ =	shalt  }
0x61: {  	_ =	shalt  }
0x62: {  	_ =	shalt  }
0x63: {  	_ =	shalt  }
0x64: {  	_ =	shalt  }
0x65: {  	_ =	shalt  }
0x66: {  	_ =	shalt  }
0x67: {  	_ =	shalt  }
0x68: {  	_ =	shalt  }
0x69: {  	_ =	shalt  }
0x6a: {  	_ =	shalt  }
0x6b: {  	_ =	shalt  }
0x6c: {  	_ =	shalt  }
0x6d: {  	_ =	shalt  }
0x6e: {  	_ =	shalt  }
0x6f: {  	_ =	shalt  }
0x70: {  	_ =	shalt  }
0x71: {  	_ =	shalt  }
0x72: {  	_ =	shalt  }
0x73: {  	_ =	shalt  }
0x74: {  	_ =	shalt  }
0x75: {  	_ =	shalt  }
0x76: {  	_ =	shalt  }
0x77: {  	_ =	shalt  }
0x78: {  	_ =	shalt  }
0x79: {  	_ =	shalt  }
0x7a: {  	_ =	shalt  }
0x7b: {  	_ =	shalt  }
0x7c: {  	_ =	shalt  }
0x7d: {  	_ =	shalt  }
0x7e: {  	_ =	shalt  }
0x7f: {  	_ =	shalt  }
0x80: {  	_ =	shalt  }
0x81: {  	_ =	shalt  }
0x82: {  	_ =	shalt  }
0x83: {  	_ =	shalt  }
0x84: {  	_ =	shalt  }
0x85: {  	_ =	shalt  }
0x86: {  	_ =	shalt  }
0x87: {  	_ =	shalt  }
.Lfunc_end0:
.L_simem_size_0:
called_computation_lowered:
.L_overlay_start_0:
0x88: {  	s2 =	sld [smem:$0x3FD9]  }
0x89: {  	s3 =	sld [smem:$0x3FFE];
	_ =	sdelay $0x1  }
0x8a: {  	s1 =	srdreg.scid  }
0x8b: {  	s0 =	sand.u32 $0x1, s1  }
0x8c: {  	s17 =	sshll.u32 s0, $0xA;
	s2 =	sadd.s32 s3, s2  }
0x8d: {  	s2 =	sadd.s32 s2, s17  }
0x8e: {  	[smem:$0x3FC3] =	sst s2  }
0x8f: {  	_ = 	snop  }
0x90: {  	s2 =	sld [smem:$0x3FD0];
	(tm) =	ssettm $0x1  }
0x91: {  	s18 =	sld [smem:$0x3FFB];
	_ =	sdelay $0x3  }
0x92: {  	_ =	strace s18  }
0x93: {  	s3 =	sld [smem:$0x3FFC];
	_ =	sdelay $0x3  }
0x94: {  	_ =	strace s3  }
0x95: {  	s3 =	sld [smem:$0x3FFD];
	_ =	sdelay $0x3  }
0x96: {  	_ =	strace s3  }
0x97: {  	_ =	strace $0x8FFFFFFF  }
0x98: {  	s19 =	sld [smem:$0x3FDB];
	_ =	sdelay $0x1  }
0x99: {  	s4 =	simm.s32 $_scs_section_size  }
0x9a: {  	s5 =	simm.s32 $_size__tile_overlayer_lowered;
	s6 =	simm.s32 $_tile_overlayer_lowered  }
0x9b: {  	s22 =	simm.s32 $0x1BFF;
	s21 =	sshll.u32 s6, $0x1;
	s3 =	sadd.s32 s4, s19  }
0x9c: {  	s7 =	simm.s32 $0x0;
	s20 =	sshll.u32 s5, $0x1;
	s5 =	sadd.s32 s21, s3  }
0x9d: {  	[timem:s7], [sflag:s22] =	dma.local [hbm:s5], s20  }
0x9e: {  	_ =	swait.ge [sflag:s22], s20  }
0x9f: {  	s4 =	ssub.s32 $0x0, s20;
	[sflag:s22] =	ssyncset.done $0x0  }
0xa0: {  	[sflag:s22] =	ssyncadd.s32 s4;
	_ =	sdelay $0x1  }
0xa1: {  	s23 =	simm.s32 $0x1B8B  }
0xa2: {  	_ =	swait.ge [sflag:s23], $0x1  }
0xa3: {  	[sflag:s23] =	ssyncset.done $0x0  }
0xa4: {  	s25 =	simm.s32 $0x1B8E;
	s24 =	sld [smem:$0x3FFE];
	[sflag:s23] =	ssyncadd.s32 $0xFFFFFFFF  }
0xa5: {  	s26 =	simm.s32 $execute0_lowered;
	[smem:$0x3FD2] =	sst s25  }
0xa6: {  	s5 =	sshll.u32 s26, $0x1;
	_ =	strace $0x80000046;
	[dreg:$0x1] =	wrdreg $0xFFFFFFFF  }
0xa7: {  	s28 =	simm.s32 $_size_execute0_lowered;
	s3 =	sadd.s32 s3, s5;
	[dreg:$0x0] =	wrdreg $0x0  }
0xa8: {  	s5 =	sshll.u32 s28, $0x1;
	[dreg:$0x2] =	wrdreg s3  }
0xa9: {  	[dreg:$0x3] =	wrdreg s5  }
0xaa: {  	[dreg:$0x4] =	wrdreg $0xC0  }
0xab: {  	_ =	task [dreg:s7], $0x5FFFF  }
0xac: {  	[dreg:$0x1] =	wrdreg $0xFFFFFFFF  }
0xad: {  	[dreg:$0x0] =	wrdreg $0x60  }
0xae: {  	[dreg:$0x2] =	wrdreg s24  }
0xaf: {  	[dreg:$0x3] =	wrdreg s2  }
0xb0: {  	[dreg:$0x4] =	wrdreg $0xAD000  }
0xb1: {  	[dreg:$0x5] =	wrdreg $0x9  }
0xb2: {  	_ =	task.clear_ibuf [dreg:s7], $0x6FFFF;
	_ =	strace $0x90000046  }
0xb3: {  	s29 =	simm.s32 $0x9;
	_ =	strace $0x80000048  }
0xb4: {  	_ =	swait.ge [sflag:s29], $0x1  }
0xb5: {  	[sflag:s29] =	ssyncadd.s32 $0xFFFFFFFF  }
0xb6: {  	_ =	strace $0x90000048  }
0xb7: {  	_ =	sfence  }
0xb8: {  	s30 =	sld [smem:$0x0];
	_ =	sdelay $0x2  }
0xb9: {  	s31 =	sshll.u32 s1, $0xD;
	s1 =	sshrl.u32 s1, $0x2  }
0xba: {  	s3 =	sand.u32 $0x4000, s31;
	s1 =	sadd.s32 s1, s30  }
0xbb: {  	s0 =	sor.u32 s3, s0;
	s1 =	sshll.u32 s1, $0x11  }
0xbc: {  	s0 =	sor.u32 s1, s0  }
0xbd: {  	s0 =	sadd.s32 $0x8F2B, s0  }
0xbe: {  	[sflag:s0] =	ssyncadd.remote.s32 $0x1  }
0xbf: {  	_ =	sfence.sel $0xFFFF  }
0xc0: {  	[dreg:$0x0] =	wrdreg $0xFFFFFFFF;
	(pc) =	sbr.abs _section_cstart, $3  }
0xc1: {  	[dreg:$0x1] =	wrdreg $0xFFFFFFFF  }
0xc2: {  	_ =	task.clear_ibuf [dreg:s7], $0x2FFFF;
	_ =	strace $0x9FFFFFFF  }
0xc3: {  	(tm) =	ssettm $0x7FFFFFFF  }
tec
execute0_lowered:
.L_overlay_start_1:
0x0: {  	(tag) =	ssettag $0x1  }
0x1: {  	s0 =	rddreg [dreg:$0x0]  }
0x2: {  	s1 =	rddreg [dreg:$0x1]  }
0x3: {  	s2 =	rddreg [dreg:$0x2]  }
0x4: {  	s3 =	simm.s32 $0x0;
	s4 =	srdreg.scid;
	s12 =	stileid.u32  }
0x5: {  	s10 =	simm.s32 $0xFFFFFFB4;
	s13 =	simm.s32 $0xA500;
	s14 =	simm.s32 $0x15  }
0x6: {  	s15 =	simm.s32 $0x0;
	s30 =	simm.s32 $0xC;
	s16 =	simm.s32 $0x9  }
0x7: {  	s18 =	simm.s32 $0xF;
	s20 =	simm.s32 $0xA;
	s22 =	simm.s32 $0x300  }
0x8: {  	s17 =	simm.s32 $0x400;
	[smem:$0x7FF] =	sst s3;
	s8 =	smul.u32 $0x31, s12  }
0x9: {  	s4 =	sand.u32 $0x1, s4;
	s5 =	sadd.s32 $0x15400, s0;
	s11 =	smul.u32 $0xA000, s12  }
0xa: {  	s6 =	sadd.s32 $0x1A00, s0;
	s24 =	ssub.s32 $0x7C, s12;
	s28 =	smul.u32 $0x500, s12  }
0xb: {  	s3 =	simm.s32 $0x40;
	s7 =	smul.u32 $0x27100, s4;
	_ =	strace $0x80000047  }
0xc: {  	s9 =	ssub.s32 $0x2, s4;
	p0 =	seq.s32 s4, $0x0;
	s4 =	sadd.s32 $0x4C0, s8  }
0xd: {  	s23 =	sshrl.u32 s9, $0x1;
	s10 =	simm.s32 @!p0 $0xFFFFFFCF;
	s26 =	sshrl.u32 s11, $0x2  }
0xe: {  	s11 =	simm.s32 $0x8;
	s0 =	sadd.s32 s7, s0;
	s7 =	smul.u32 $0x4C, s12  }
0xf: {  	s8 =	ssub.s32 s9, s23;
	[dreg:$0x4] =	wrdreg s10;
	s31 =	sadd.s32 s26, s2  }
0x10: {  	s12 =	simm.s32 $0xE;
	s8 =	smax.u32 s8, $0x1;
	s0 =	sadd.s32 s28, s0  }
0x11: {  	s4 =	smov.u32 @p0 s7;
	s7 =	sshrl.u32 s24, $0x4;
	[dreg:$0x5] =	wrdreg s8  }
0x12: {  	s0 =	sadd.s32 $0x3C600, s0;
	s24 =	simm.s32 $0x280;
	s25 =	smul.u32 $0xA0000, s7  }
0x13: {  	s4 =	smul.u32 $0x140, s4;
	s29 =	sadd.s32 $0x1, s7;
	[dreg:$0x8] =	wrdreg s0  }
0x14: {  	s0 =	simm.s32 $0x0;
	s7 =	simm.s32 $0x7;
	[dreg:$0x7] =	wrdreg s29  }
0x15: {  	v0 =	vimm.f32 $0.0e+00;
	s8 =	sadd.s32 $0xA0000, s25;
	[dreg:$0x6] =	wrdreg s4;
	s25 =	simm.s32 $0x380  }
.LBB2_1:
0x16: {  	[tilespmem:$0xA500] =	vst v0  }
0x17: {  	[tilespmem:$0xA510] =	vst v0  }
0x18: {  	[tilespmem:$0xA520] =	vst v0  }
0x19: {  	[tilespmem:$0xA530] =	vst v0  }
0x1a: {  	[tilespmem:$0xA540] =	vst v0  }
0x1b: {  	[tilespmem:$0xA550] =	vst v0  }
0x1c: {  	[tilespmem:$0xA560] =	vst v0  }
0x1d: {  	[tilespmem:$0xA570] =	vst v0  }
0x1e: {  	[tilespmem:$0xA580] =	vst v0  }
0x1f: {  	[tilespmem:$0xA590] =	vst v0  }
0x20: {  	[tilespmem:$0xA5A0] =	vst v0  }
0x21: {  	[tilespmem:$0xA5B0] =	vst v0  }
0x22: {  	[tilespmem:$0xA5C0] =	vst v0  }
0x23: {  	[tilespmem:$0xA5D0] =	vst v0  }
0x24: {  	[tilespmem:$0xA5E0] =	vst v0  }
0x25: {  	[tilespmem:$0xA5F0] =	vst v0  }
0x26: {  	[tilespmem:$0xA600] =	vst v0  }
0x27: {  	[tilespmem:$0xA610] =	vst v0  }
0x28: {  	[tilespmem:$0xA620] =	vst v0  }
0x29: {  	[tilespmem:$0xA630] =	vst v0  }
0x2a: {  	[tilespmem:$0xA640] =	vst v0  }
0x2b: {  	[tilespmem:$0xA650] =	vst v0  }
0x2c: {  	[tilespmem:$0xA660] =	vst v0  }
0x2d: {  	[tilespmem:$0xA670] =	vst v0  }
0x2e: {  	[tilespmem:$0xA680] =	vst v0  }
0x2f: {  	[tilespmem:$0xA690] =	vst v0  }
0x30: {  	[tilespmem:$0xA6A0] =	vst v0  }
0x31: {  	[tilespmem:$0xA6B0] =	vst v0  }
0x32: {  	[tilespmem:$0xA6C0] =	vst v0  }
0x33: {  	[tilespmem:$0xA6D0] =	vst v0  }
0x34: {  	[tilespmem:$0xA6E0] =	vst v0  }
0x35: {  	[tilespmem:$0xA6F0] =	vst v0  }
0x36: {  	[tilespmem:$0xA700] =	vst v0  }
0x37: {  	[tilespmem:$0xA710] =	vst v0  }
0x38: {  	[tilespmem:$0xA720] =	vst v0  }
0x39: {  	[tilespmem:$0xA730] =	vst v0  }
0x3a: {  	[tilespmem:$0xA740] =	vst v0  }
0x3b: {  	[tilespmem:$0xA750] =	vst v0  }
0x3c: {  	[tilespmem:$0xA760] =	vst v0  }
0x3d: {  	[tilespmem:$0xA770] =	vst v0  }
0x3e: {  	[tilespmem:$0xA780] =	vst v0  }
0x3f: {  	[tilespmem:$0xA790] =	vst v0  }
0x40: {  	[tilespmem:$0xA7A0] =	vst v0  }
0x41: {  	[tilespmem:$0xA7B0] =	vst v0  }
0x42: {  	[tilespmem:$0xA7C0] =	vst v0  }
0x43: {  	[tilespmem:$0xA7D0] =	vst v0  }
0x44: {  	[tilespmem:$0xA7E0] =	vst v0  }
0x45: {  	[tilespmem:$0xA7F0] =	vst v0  }
0x46: {  	[tilespmem:$0xA800] =	vst v0  }
0x47: {  	[tilespmem:$0xA810] =	vst v0  }
0x48: {  	[tilespmem:$0xA820] =	vst v0  }
0x49: {  	[tilespmem:$0xA830] =	vst v0  }
0x4a: {  	[tilespmem:$0xA840] =	vst v0  }
0x4b: {  	[tilespmem:$0xA850] =	vst v0  }
0x4c: {  	[tilespmem:$0xA860] =	vst v0  }
0x4d: {  	[tilespmem:$0xA870] =	vst v0  }
0x4e: {  	[tilespmem:$0xA880] =	vst v0  }
0x4f: {  	[tilespmem:$0xA890] =	vst v0  }
0x50: {  	[tilespmem:$0xA8A0] =	vst v0  }
0x51: {  	[tilespmem:$0xA8B0] =	vst v0  }
0x52: {  	[tilespmem:$0xA8C0] =	vst v0  }
0x53: {  	[tilespmem:$0xA8D0] =	vst v0  }
0x54: {  	[tilespmem:$0xA8E0] =	vst v0  }
0x55: {  	[tilespmem:$0xA8F0] =	vst v0  }
0x56: {  	[tilespmem:$0xA900] =	vst v0  }
0x57: {  	[tilespmem:$0xA910] =	vst v0  }
0x58: {  	[tilespmem:$0xA920] =	vst v0  }
0x59: {  	[tilespmem:$0xA930] =	vst v0  }
0x5a: {  	[tilespmem:$0xA940] =	vst v0  }
0x5b: {  	[tilespmem:$0xA950] =	vst v0  }
0x5c: {  	[tilespmem:$0xA960] =	vst v0  }
0x5d: {  	[tilespmem:$0xA970] =	vst v0  }
0x5e: {  	[tilespmem:$0xA980] =	vst v0  }
0x5f: {  	[tilespmem:$0xA990] =	vst v0  }
0x60: {  	[tilespmem:$0xA9A0] =	vst v0  }
0x61: {  	[tilespmem:$0xA9B0] =	vst v0  }
0x62: {  	[tilespmem:$0xA9C0] =	vst v0  }
0x63: {  	[tilespmem:$0xA9D0] =	vst v0  }
0x64: {  	[tilespmem:$0xA9E0] =	vst v0  }
0x65: {  	[tilespmem:$0xA9F0] =	vst v0  }
0x66: {  	[tilespmem:$0xAA00] =	vst v0  }
0x67: {  	[tilespmem:$0xAA10] =	vst v0  }
0x68: {  	[tilespmem:$0xAA20] =	vst v0  }
0x69: {  	[tilespmem:$0xAA30] =	vst v0  }
0x6a: {  	[tilespmem:$0xAA40] =	vst v0  }
0x6b: {  	[tilespmem:$0xAA50] =	vst v0  }
0x6c: {  	[tilespmem:$0xAA60] =	vst v0  }
0x6d: {  	[tilespmem:$0xAA70] =	vst v0  }
0x6e: {  	[tilespmem:$0xAA80] =	vst v0  }
0x6f: {  	[tilespmem:$0xAA90] =	vst v0  }
0x70: {  	[tilespmem:$0xAAA0] =	vst v0  }
0x71: {  	[tilespmem:$0xAAB0] =	vst v0  }
0x72: {  	[tilespmem:$0xAAC0] =	vst v0  }
0x73: {  	[tilespmem:$0xAAD0] =	vst v0  }
0x74: {  	[tilespmem:$0xAAE0] =	vst v0  }
0x75: {  	[tilespmem:$0xAAF0] =	vst v0  }
0x76: {  	[tilespmem:$0xAB00] =	vst v0  }
0x77: {  	[tilespmem:$0xAB10] =	vst v0  }
0x78: {  	[tilespmem:$0xAB20] =	vst v0  }
0x79: {  	[tilespmem:$0xAB30] =	vst v0  }
0x7a: {  	[tilespmem:$0xAB40] =	vst v0  }
0x7b: {  	[tilespmem:$0xAB50] =	vst v0  }
0x7c: {  	[tilespmem:$0xAB60] =	vst v0  }
0x7d: {  	[tilespmem:$0xAB70] =	vst v0  }
0x7e: {  	[tilespmem:$0xAB80] =	vst v0  }
0x7f: {  	[tilespmem:$0xAB90] =	vst v0  }
0x80: {  	[tilespmem:$0xABA0] =	vst v0  }
0x81: {  	[tilespmem:$0xABB0] =	vst v0  }
0x82: {  	[tilespmem:$0xABC0] =	vst v0  }
0x83: {  	[tilespmem:$0xABD0] =	vst v0  }
0x84: {  	[tilespmem:$0xABE0] =	vst v0  }
0x85: {  	[tilespmem:$0xABF0] =	vst v0  }
0x86: {  	[tilespmem:$0xAC00] =	vst v0  }
0x87: {  	[tilespmem:$0xAC10] =	vst v0  }
0x88: {  	[tilespmem:$0xAC20] =	vst v0  }
0x89: {  	[tilespmem:$0xAC30] =	vst v0  }
0x8a: {  	[tilespmem:$0xAC40] =	vst v0  }
0x8b: {  	[tilespmem:$0xAC50] =	vst v0  }
0x8c: {  	[tilespmem:$0xAC60] =	vst v0  }
0x8d: {  	[tilespmem:$0xAC70] =	vst v0  }
0x8e: {  	[tilespmem:$0xAC80] =	vst v0  }
0x8f: {  	[tilespmem:$0xAC90] =	vst v0  }
0x90: {  	[tilespmem:$0xACA0] =	vst v0;
	p1 =	sne.s32 s8, $0xA0000  }
.Ltmp0:
0x91: {  	[tilespmem:$0xACB0] =	vst v0;
	(pc) =	sbr.rel @!p1 .LBB2_4-.Ltmp0, $4  }
0x92: {  	[tilespmem:$0xACC0] =	vst v0  }
0x93: {  	[tilespmem:$0xACD0] =	vst v0  }
0x94: {  	[tilespmem:$0xACE0] =	vst v0  }
0x95: {  	[tilespmem:$0xACF0] =	vst v0;
	s9 =	simm.s32 $0x0;
	p0 =	por $0x0, $0x0  }
0x96: {  	s9 =	sadd.s32 $0x0, s31  }
0x97: {  	[spmem:s9] =	stream.linear.scatter [tilespmem:s13], [sflag:$0x15], $0x800, $0x38;
	[tilespmem:$0x1E580] =	vst v63  }
0x98: {  	_ =	swait.ge [sflag:s14], $0x800  }
0x99: {  	[sflag:s14] =	ssyncset.done $0x0  }
0x9a: {  	s23 =	sadd.s32 $0x800, s9;
	[sflag:s14] =	ssyncadd.s32 $0xFFFFF800  }
0x9b: {  	[spmem:s23] =	stream.linear.scatter [tilespmem:s13], [sflag:$0x15], $0x800, $0x38;
	[tilespmem:$0x1E580] =	vst v63  }
0x9c: {  	_ =	swait.ge [sflag:s14], $0x800  }
0x9d: {  	[sflag:s14] =	ssyncset.done $0x0  }
0x9e: {  	s28 =	sadd.s32 $0x1000, s9;
	[sflag:s14] =	ssyncadd.s32 $0xFFFFF800  }
0x9f: {  	[spmem:s28] =	stream.linear.scatter [tilespmem:s13], [sflag:$0x15], $0x800, $0x38;
	[tilespmem:$0x1E580] =	vst v63  }
0xa0: {  	_ =	swait.ge [sflag:s14], $0x800  }
0xa1: {  	[sflag:s14] =	ssyncset.done $0x0  }
0xa2: {  	s29 =	sadd.s32 $0x1800, s9;
	[sflag:s14] =	ssyncadd.s32 $0xFFFFF800  }
0xa3: {  	[spmem:s29] =	stream.linear.scatter [tilespmem:s13], [sflag:$0x15], $0x800, $0x38;
	[tilespmem:$0x1E580] =	vst v63  }
0xa4: {  	p1 =	sne.s32 s8, $0x140000;
	_ =	swait.ge [sflag:s14], $0x800  }
.Ltmp1:
0xa5: {  	[sflag:s14] =	ssyncset.done $0x0;
	(pc) =	sbr.rel @!p1 .LBB2_4-.Ltmp1, $4  }
0xa6: {  	s9 =	sadd.s32 $0x2000, s9;
	[sflag:s14] =	ssyncadd.s32 $0xFFFFF800  }
0xa7: {  	[spmem:s9] =	stream.linear.scatter [tilespmem:s13], [sflag:$0x15], $0x800, $0x38;
	[tilespmem:$0x1E580] =	vst v63  }
0xa8: {  	p0 =	por $0x1, $0x1;
	_ =	swait.ge [sflag:s14], $0x800  }
0xa9: {  	s23 =	simm.s32 $0x140000;
	s9 =	simm.s32 $0x28000;
	[sflag:s14] =	ssyncset.done $0x0  }
.LBB2_3:
0xaa: {  	s9 =	sadd.s32 s9, s31  }
0xab: {  	[sflag:s14] =	ssyncadd.s32 $0xFFFFF800;
	s26 =	smov.u32 s23;
	s23 =	sadd.s32 $0xA0000, s23  }
0xac: {  	[spmem:s9] =	stream.linear.scatter [tilespmem:s13], [sflag:$0x15], $0x800, $0x38;
	[tilespmem:$0x1E580] =	vst v63  }
0xad: {  	p1 =	sne.s32 s8, s23;
	_ =	swait.ge [sflag:s14], $0x800  }
0xae: {  	[sflag:s14] =	ssyncset.done $0x0  }
0xaf: {  	s29 =	sadd.s32 $0x800, s9;
	[sflag:s14] =	ssyncadd.s32 $0xFFFFF800  }
0xb0: {  	[spmem:s29] =	stream.linear.scatter [tilespmem:s13], [sflag:$0x15], $0x800, $0x38;
	[tilespmem:$0x1E580] =	vst v63  }
0xb1: {  	_ =	swait.ge [sflag:s14], $0x800  }
0xb2: {  	[sflag:s14] =	ssyncset.done $0x0  }
0xb3: {  	s29 =	sadd.s32 $0x1000, s9;
	[sflag:s14] =	ssyncadd.s32 $0xFFFFF800  }
0xb4: {  	[spmem:s29] =	stream.linear.scatter [tilespmem:s13], [sflag:$0x15], $0x800, $0x38;
	[tilespmem:$0x1E580] =	vst v63  }
0xb5: {  	_ =	swait.ge [sflag:s14], $0x800  }
0xb6: {  	[sflag:s14] =	ssyncset.done $0x0  }
0xb7: {  	s29 =	sadd.s32 $0x1800, s9;
	[sflag:s14] =	ssyncadd.s32 $0xFFFFF800  }
0xb8: {  	[spmem:s29] =	stream.linear.scatter [tilespmem:s13], [sflag:$0x15], $0x800, $0x38;
	[tilespmem:$0x1E580] =	vst v63  }
0xb9: {  	_ =	swait.ge [sflag:s14], $0x800  }
.Ltmp2:
0xba: {  	[sflag:s14] =	ssyncset.done $0x0;
	(pc) =	sbr.rel @p1 .LBB2_3-.Ltmp2, $4  }
0xbb: {  	s9 =	sadd.s32 $0x2000, s9;
	[sflag:s14] =	ssyncadd.s32 $0xFFFFF800  }
0xbc: {  	[spmem:s9] =	stream.linear.scatter [tilespmem:s13], [sflag:$0x15], $0x800, $0x38;
	[tilespmem:$0x1E580] =	vst v63  }
0xbd: {  	_ =	swait.ge [sflag:s14], $0x800  }
0xbe: {  	s9 =	sshra.s32 s26, $0x2;
	[sflag:s14] =	ssyncset.done $0x0  }
.LBB2_4:
0xbf: {  	[dreg:$0x9] =	wrdreg s0;
	s9 =	sadd.s32 s9, s31;
	[sflag:s14] =	ssyncadd.s32 @p0 $0xFFFFF800  }
0xc0: {  	[spmem:s9] =	stream.linear.scatter [tilespmem:s13], [sflag:$0x15], $0x800, $0x38;
	[tilespmem:$0x1E580] =	vst v63  }
0xc1: {  	_ =	swait.ge [sflag:s14], $0x800  }
0xc2: {  	[sflag:s14] =	ssyncset.done $0x0  }
0xc3: {  	s23 =	sadd.s32 $0x800, s9;
	[sflag:s14] =	ssyncadd.s32 $0xFFFFF800  }
0xc4: {  	[spmem:s23] =	stream.linear.scatter [tilespmem:s13], [sflag:$0x15], $0x800, $0x38;
	[tilespmem:$0x1E580] =	vst v63  }
0xc5: {  	_ =	swait.ge [sflag:s14], $0x800  }
0xc6: {  	[sflag:s14] =	ssyncset.done $0x0  }
0xc7: {  	s28 =	sadd.s32 $0x1000, s9;
	[sflag:s14] =	ssyncadd.s32 $0xFFFFF800  }
0xc8: {  	[spmem:s28] =	stream.linear.scatter [tilespmem:s13], [sflag:$0x15], $0x800, $0x38;
	[tilespmem:$0x1E580] =	vst v63  }
0xc9: {  	_ =	swait.ge [sflag:s14], $0x800  }
0xca: {  	[sflag:s14] =	ssyncset.done $0x0  }
0xcb: {  	s29 =	sadd.s32 $0x1800, s9;
	[sflag:s14] =	ssyncadd.s32 $0xFFFFF800  }
0xcc: {  	[spmem:s29] =	stream.linear.scatter [tilespmem:s13], [sflag:$0x15], $0x800, $0x38;
	[tilespmem:$0x1E580] =	vst v63  }
0xcd: {  	_ =	swait.ge [sflag:s14], $0x800  }
0xce: {  	[sflag:s14] =	ssyncset.done $0x0  }
0xcf: {  	s9 =	sadd.s32 $0x2000, s9;
	[sflag:s14] =	ssyncadd.s32 $0xFFFFF800  }
0xd0: {  	[spmem:s9] =	stream.linear.scatter [tilespmem:s13], [sflag:$0x15], $0x800, $0x38;
	[tilespmem:$0x1E580] =	vst v63  }
0xd1: {  	_ =	swait.ge [sflag:s14], $0x800  }
0xd2: {  	[sflag:s14] =	ssyncset.done $0x0  }
0xd3: {  	[sflag:s14] =	ssyncadd.s32 $0xFFFFF800  }
0xd4: {  	[bflag:$0x0] =	sbarrier.arrive $0xFFFF  }
0xd5: {  	s0 =	simm.s32 $0xD;
	s23 =	simm.s32 $0x0;
	s26 =	rddreg [dreg:$0x6]  }
.LBB2_5:
0xd6: {  	p0 =	seq.s32 s23, $0x0  }
0xd7: {  	s9 =	simm.s32 @!p0 $0x10  }
0xd8: {  	_ =	swait.ge @!p0 [sflag:s9], $0x2000  }
0xd9: {  	[sflag:s9] =	ssyncset.done @!p0 $0x0  }
0xda: {  	[sflag:s9] =	ssyncadd.s32 @!p0 $0xFFFFE000;
	s9 =	simm.s32 @!p0 $0x11  }
0xdb: {  	_ =	swait.ge @!p0 [sflag:s9], $0x2000  }
0xdc: {  	[sflag:s9] =	ssyncset.done @!p0 $0x0  }
0xdd: {  	[sflag:s9] =	ssyncadd.s32 @!p0 $0xFFFFE000;
	s9 =	simm.s32 @!p0 $0x12  }
0xde: {  	_ =	swait.ge @!p0 [sflag:s9], $0x2000  }
0xdf: {  	[sflag:s9] =	ssyncset.done @!p0 $0x0  }
0xe0: {  	[sflag:s9] =	ssyncadd.s32 @!p0 $0xFFFFE000;
	s9 =	simm.s32 @!p0 $0x13  }
0xe1: {  	_ =	swait.ge @!p0 [sflag:s9], $0x2000  }
0xe2: {  	[sflag:s9] =	ssyncset.done @!p0 $0x0  }
0xe3: {  	[sflag:s9] =	ssyncadd.s32 @!p0 $0xFFFFE000;
	s9 =	simm.s32 @!p0 $0x14  }
0xe4: {  	_ =	swait.ge @!p0 [sflag:s9], $0x2000  }
0xe5: {  	s29 =	sshrl.u32 s26, $0x3;
	[sflag:s9] =	ssyncset.done @!p0 $0x0  }
0xe6: {  	s10 =	sadd.s32 $0x40, s26;
	s28 =	sadd.s32 s6, s29;
	[sflag:s9] =	ssyncadd.s32 @!p0 $0xFFFFE000  }
0xe7: {  	[tilespmem:s15], [sflag:$0x1] =	stream.linear.gather [hbm4b:s28+s15], $0x40, $0x38;
	[tilespmem:$0x1E580] =	vst v63  }
0xe8: {  	s4 =	sadd.s32 s1, s29;
	s9 =	sshrl.u32 s10, $0x3  }
0xe9: {  	[tilespmem:s24], [sflag:$0x6] =	stream.linear.gather [hbm4b:s4+s15], $0x40, $0x38;
	[tilespmem:$0x1E580] =	vst v63  }
0xea: {  	s19 =	sadd.s32 s6, s9;
	s4 =	simm.s32 $0x80  }
0xeb: {  	[tilespmem:s4], [sflag:$0x2] =	stream.linear.gather [hbm4b:s19+s15], $0x40, $0x38;
	[tilespmem:$0x1E580] =	vst v63  }
0xec: {  	s21 =	sadd.s32 $0x80, s26;
	s9 =	sadd.s32 s1, s9  }
0xed: {  	[tilespmem:s22], [sflag:$0x7] =	stream.linear.gather [hbm4b:s9+s15], $0x40, $0x38;
	[tilespmem:$0x1E580] =	vst v63  }
0xee: {  	s9 =	sshrl.u32 s21, $0x3  }
0xef: {  	s10 =	simm.s32 $0x100;
	s28 =	sadd.s32 s6, s9  }
0xf0: {  	[tilespmem:s10], [sflag:$0x3] =	stream.linear.gather [hbm4b:s28+s15], $0x40, $0x38;
	[tilespmem:$0x1E580] =	vst v63  }
0xf1: {  	s19 =	sadd.s32 $0xC0, s26;
	s9 =	sadd.s32 s1, s9  }
0xf2: {  	[tilespmem:s25], [sflag:$0x8] =	stream.linear.gather [hbm4b:s9+s15], $0x40, $0x38;
	[tilespmem:$0x1E580] =	vst v63  }
0xf3: {  	s9 =	sshrl.u32 s19, $0x3  }
0xf4: {  	s28 =	simm.s32 $0x180;
	s21 =	sadd.s32 s6, s9  }
0xf5: {  	[tilespmem:s28], [sflag:$0x4] =	stream.linear.gather [hbm4b:s21+s15], $0x40, $0x38;
	[tilespmem:$0x1E580] =	vst v63  }
0xf6: {  	s19 =	sadd.s32 $0x100, s26;
	s9 =	sadd.s32 s1, s9  }
0xf7: {  	[tilespmem:s17], [sflag:$0x9] =	stream.linear.gather [hbm4b:s9+s15], $0x40, $0x38;
	[tilespmem:$0x1E580] =	vst v63  }
0xf8: {  	s9 =	sshrl.u32 s19, $0x3  }
0xf9: {  	s19 =	simm.s32 $0x200;
	s21 =	sadd.s32 s6, s9  }
0xfa: {  	[tilespmem:s19], [sflag:$0x5] =	stream.linear.gather [hbm4b:s21+s15], $0x40, $0x38;
	[tilespmem:$0x1E580] =	vst v63  }
0xfb: {  	s29 =	simm.s32 $0x480;
	s9 =	sadd.s32 s1, s9;
	s21 =	simm.s32 $0x1  }
0xfc: {  	[tilespmem:s29], [sflag:$0xA] =	stream.linear.gather [hbm4b:s9+s15], $0x40, $0x38;
	[tilespmem:$0x1E580] =	vst v63  }
0xfd: {  	_ =	swait.ge [sflag:s21], $0x40  }
0xfe: {  	[sflag:s21] =	ssyncset.done $0x0  }
0xff: {  	s9 =	simm.s32 $0x500;
	[sflag:s21] =	ssyncadd.s32 $0xFFFFFFC0;
	s21 =	simm.s32 $0x2  }
0x100: {  	[tilespmem:s9], [sflag:$0xB] =	stream.indirect.gather [hbm4b:s5+s3], $0x80, s15, s3, $0xb8;
	[tilespmem:$0x1E580] =	vst v63  }
0x101: {  	_ =	swait.ge [sflag:s21], $0x40  }
0x102: {  	[sflag:s21] =	ssyncset.done $0x0  }
0x103: {  	[sflag:s21] =	ssyncadd.s32 $0xFFFFFFC0;
	s21 =	simm.s32 $0x2500  }
0x104: {  	[tilespmem:s21], [sflag:$0xC] =	stream.indirect.gather [hbm4b:s5+s3], $0x80, s4, s3, $0xb8;
	[tilespmem:$0x1E580] =	vst v63  }
0x105: {  	s4 =	simm.s32 $0x3  }
0x106: {  	_ =	swait.ge [sflag:s4], $0x40  }
0x107: {  	[sflag:s4] =	ssyncset.done $0x0  }
0x108: {  	[sflag:s4] =	ssyncadd.s32 $0xFFFFFFC0;
	s4 =	simm.s32 $0x4500  }
0x109: {  	[tilespmem:s4], [sflag:$0xD] =	stream.indirect.gather [hbm4b:s5+s3], $0x80, s10, s3, $0xb8;
	[tilespmem:$0x1E580] =	vst v63  }
0x10a: {  	s10 =	simm.s32 $0x4  }
0x10b: {  	_ =	swait.ge [sflag:s10], $0x40  }
0x10c: {  	[sflag:s10] =	ssyncset.done $0x0  }
0x10d: {  	[sflag:s10] =	ssyncadd.s32 $0xFFFFFFC0;
	s10 =	simm.s32 $0x6500  }
0x10e: {  	[tilespmem:s10], [sflag:$0xE] =	stream.indirect.gather [hbm4b:s5+s3], $0x80, s28, s3, $0xb8;
	[tilespmem:$0x1E580] =	vst v63  }
0x10f: {  	s28 =	simm.s32 $0x5  }
0x110: {  	_ =	swait.ge [sflag:s28], $0x40  }
0x111: {  	[sflag:s28] =	ssyncset.done $0x0  }
0x112: {  	[sflag:s28] =	ssyncadd.s32 $0xFFFFFFC0;
	s28 =	simm.s32 $0x8500  }
0x113: {  	[tilespmem:s28], [sflag:$0xF] =	stream.indirect.gather [hbm4b:s5+s3], $0x80, s19, s3, $0xb8;
	[tilespmem:$0x1E580] =	vst v63  }
0x114: {  	s19 =	simm.s32 $0xB  }
0x115: {  	_ =	swait.ge [sflag:s19], $0x2000  }
0x116: {  	[sflag:s19] =	ssyncset.done $0x0  }
0x117: {  	[sflag:s19] =	ssyncadd.s32 $0xFFFFE000;
	s19 =	simm.s32 $0x6  }
0x118: {  	_ =	swait.ge [sflag:s19], $0x40  }
0x119: {  	[sflag:s19] =	ssyncset.done $0x0  }
0x11a: {  	[sflag:s19] =	ssyncadd.s32 $0xFFFFFFC0  }
0x11b: {  	[spmem:s2] =	stream.indirect.scatter.add.f32 [tilespmem:s9], [sflag:$0x10], $0x80, s24, s3, $0xb8;
	[tilespmem:$0x1E580] =	vst v63  }
0x11c: {  	_ =	swait.ge [sflag:s30], $0x2000  }
0x11d: {  	[sflag:s30] =	ssyncset.done $0x0  }
0x11e: {  	[sflag:s30] =	ssyncadd.s32 $0xFFFFE000  }
0x11f: {  	_ =	swait.ge [sflag:s7], $0x40  }
0x120: {  	[sflag:s7] =	ssyncset.done $0x0  }
0x121: {  	[sflag:s7] =	ssyncadd.s32 $0xFFFFFFC0  }
0x122: {  	[spmem:s2] =	stream.indirect.scatter.add.f32 [tilespmem:s21], [sflag:$0x11], $0x80, s22, s3, $0xb8;
	[tilespmem:$0x1E580] =	vst v63  }
0x123: {  	_ =	swait.ge [sflag:s0], $0x2000  }
0x124: {  	[sflag:s0] =	ssyncset.done $0x0  }
0x125: {  	[sflag:s0] =	ssyncadd.s32 $0xFFFFE000  }
0x126: {  	_ =	swait.ge [sflag:s11], $0x40  }
0x127: {  	[sflag:s11] =	ssyncset.done $0x0  }
0x128: {  	[sflag:s11] =	ssyncadd.s32 $0xFFFFFFC0  }
0x129: {  	[spmem:s2] =	stream.indirect.scatter.add.f32 [tilespmem:s4], [sflag:$0x12], $0x80, s25, s3, $0xb8;
	[tilespmem:$0x1E580] =	vst v63  }
0x12a: {  	_ =	swait.ge [sflag:s12], $0x2000  }
0x12b: {  	[sflag:s12] =	ssyncset.done $0x0  }
0x12c: {  	[sflag:s12] =	ssyncadd.s32 $0xFFFFE000  }
0x12d: {  	_ =	swait.ge [sflag:s16], $0x40  }
0x12e: {  	[sflag:s16] =	ssyncset.done $0x0  }
0x12f: {  	[sflag:s16] =	ssyncadd.s32 $0xFFFFFFC0  }
0x130: {  	[spmem:s2] =	stream.indirect.scatter.add.f32 [tilespmem:s10], [sflag:$0x13], $0x80, s17, s3, $0xb8;
	[tilespmem:$0x1E580] =	vst v63  }
0x131: {  	_ =	swait.ge [sflag:s18], $0x2000  }
0x132: {  	[sflag:s18] =	ssyncset.done $0x0  }
0x133: {  	[sflag:s18] =	ssyncadd.s32 $0xFFFFE000  }
0x134: {  	_ =	swait.ge [sflag:s20], $0x40  }
0x135: {  	s23 =	sadd.s32 $0xFFFFFFFF, s23;
	s21 =	rddreg [dreg:$0x4]  }
0x136: {  	p0 =	sne.s32 s21, s23  }
.Ltmp3:
0x137: {  	_ = 	snop;
	(pc) =	sbr.rel @p0 .LBB2_5-.Ltmp3, $4  }
0x138: {  	_ = 	snop  }
0x139: {  	[sflag:s20] =	ssyncset.done $0x0  }
0x13a: {  	s26 =	sadd.s32 $0x140, s26;
	[sflag:s20] =	ssyncadd.s32 $0xFFFFFFC0  }
0x13b: {  	[spmem:s2] =	stream.indirect.scatter.add.f32 [tilespmem:s28], [sflag:$0x14], $0x80, s29, s3, $0xb8;
	[tilespmem:$0x1E580] =	vst v63  }
0x13c: {  	s0 =	simm.s32 $0x10  }
0x13d: {  	_ =	swait.ge [sflag:s0], $0x2000  }
0x13e: {  	[sflag:s0] =	ssyncset.done $0x0  }
0x13f: {  	s10 =	simm.s32 $0x11;
	[sflag:s0] =	ssyncadd.s32 $0xFFFFE000  }
0x140: {  	_ =	swait.ge [sflag:s10], $0x2000  }
0x141: {  	[sflag:s10] =	ssyncset.done $0x0  }
0x142: {  	s19 =	simm.s32 $0x12;
	[sflag:s10] =	ssyncadd.s32 $0xFFFFE000  }
0x143: {  	_ =	swait.ge [sflag:s19], $0x2000  }
0x144: {  	[sflag:s19] =	ssyncset.done $0x0  }
0x145: {  	s21 =	simm.s32 $0x13;
	[sflag:s19] =	ssyncadd.s32 $0xFFFFE000  }
0x146: {  	_ =	swait.ge [sflag:s21], $0x2000  }
0x147: {  	[sflag:s21] =	ssyncset.done $0x0  }
0x148: {  	s23 =	simm.s32 $0x14;
	[sflag:s21] =	ssyncadd.s32 $0xFFFFE000  }
0x149: {  	_ =	swait.ge [sflag:s23], $0x2000  }
0x14a: {  	[sflag:s23] =	ssyncset.done $0x0  }
0x14b: {  	s4 =	stileid.u32;
	[sflag:s23] =	ssyncadd.s32 $0xFFFFE000  }
0x14c: {  	s9 =	sshll.u32 s4, $0x6;
	[bflag:$0x0] =	sbarrier.arrive $0xFFFF  }
0x14d: {  	s26 =	sshrl.u32 s31, $0x3;
	s23 =	sor.u32 $0x1C15, s9;
	s29 =	rddreg [dreg:$0x8]  }
0x14e: {  	[hbm:s29], [sflag:s23] =	dma.local [spmem:s26], $0x500  }
0x14f: {  	s28 =	rddreg [dreg:$0x7]  }
0x150: {  	p0 =	sne.s32 s28, $0x1  }
.Ltmp4:
0x151: {  	_ = 	snop;
	(pc) =	sbr.rel @!p0 .LBB2_8-.Ltmp4, $3  }
0x152: {  	_ =	sdelay $0x1  }
0x153: {  	s9 =	smov.u32 s31  }
0x154: {  	s29 =	sadd.s32 $0x5000, s29;
	_ =	swait.ge [sflag:s14], $0x500;
	s26 =	sadd.s32 $0xFFFFFFFF, s28  }
.LBB2_7:
0x155: {  	[sflag:s14] =	ssyncset.done $0x0;
	s9 =	sadd.s32 $0x28000, s9;
	p0 =	sne.s32 s26, $0x1  }
.Ltmp5:
0x156: {  	s4 =	sshrl.u32 s9, $0x3;
	[sflag:s14] =	ssyncadd.s32 $0xFFFFFB00;
	(pc) =	sbr.rel @p0 .LBB2_7-.Ltmp5, $3  }
0x157: {  	[hbm:s29], [sflag:s23] =	dma.local [spmem:s4], $0x500  }
0x158: {  	s26 =	sadd.s32 $0xFFFFFFFF, s26;
	_ =	sdelay $0x1  }
0x159: {  	s29 =	sadd.s32 $0x5000, s29;
	_ =	swait.ge [sflag:s14], $0x500  }
.LBB2_8:
0x15a: {  	s0 =	rddreg [dreg:$0x9]  }
0x15b: {  	s4 =	rddreg [dreg:$0x5];
	s0 =	sadd.s32 $0x1, s0  }
0x15c: {  	p0 =	sne.s32 s0, s4  }
.Ltmp6:
0x15d: {  	_ = 	snop;
	(pc) =	sbr.rel @p0 .LBB2_1-.Ltmp6, $3  }
0x15e: {  	_ =	sdelay $0x1  }
0x15f: {  	[sflag:s14] =	ssyncset.done $0x0  }
0x160: {  	[sflag:s14] =	ssyncadd.s32 $0xFFFFFB00  }
0x161: {  	_ =	sfence.sel $0x180000  }
0x162: {  	[bflag:$0x0] =	sbarrier.arrive $0xFFFF  }
0x163: {  	_ =	strace $0x90000047  }
0x164: {  	s0 =	stileid.u32;
	[bflag:$0x2] =	sbarrier.arrive $0xFFFF  }
0x165: {  	p0 =	sne.s32 s0, $0x0;
	s0 =	rddreg [dreg:$0x3]  }
0x166: {  	s0 =	sadd.s32 @!p0 $0x100000, s0  }
0x167: {  	[sflag:s0] =	ssyncadd.tile.s32 @!p0 $0x1;
	_ =	shalt  }
.Lfunc_end2:
_tile_overlayer_lowered:
.L_overlay_start_2:
0x168: {  	(tag) =	ssettag $0x2  }
0x169: {  	s0 =	rddreg [dreg:$0x0];
	s2 =	stileid.u32  }
0x16a: {  	s1 =	rddreg [dreg:$0x1];
	p0 =	sne.s32 s2, $0x0  }
0x16b: {  	s3 =	rddreg [dreg:$0x2];
	[bflag:$0x3] =	sbarrier.arrive $0xFFFF;
	s2 =	simm.s32 @!p0 $0x1C15  }
0x16c: {  	[timem:s3], [sflag:s2] =	dma.local @!p0 [hbm:s0], s1  }
0x16d: {  	s0 =	simm.s32 @!p0 $0x15  }
0x16e: {  	_ =	swait.ge @!p0 [sflag:s0], s1  }
0x16f: {  	s1 =	ssub.s32 @!p0 $0x0, s1;
	[sflag:s0] =	ssyncset.done @!p0 $0x0  }
0x170: {  	[sflag:s0] =	ssyncadd.s32 @!p0 s1  }
0x171: {  	[bflag:$0x3] =	sbarrier.arrive $0xFFFF  }
0x172: {  	_ =	shalt  }

</sc_bundles>
